<compile_context>
chip_gen: v7x
topology: tpu7x:2x2x1
jax: 0.10.2.dev20260603
libtpu: 0.0.44.dev20260713+nightly
codegen_flags: <defaults>
</compile_context>

<pallas_src>
import functools

import jax
import jax.numpy as jnp
from jax import lax
from jax.experimental import pallas as pl
from jax.experimental.pallas import tpu as pltpu
from jax.experimental.pallas import tpu_sc as plsc

NUM_FIELDS = 26
VOCAB = 100000
EMB_DIM = 32
BATCH = 16384

_info = plsc.get_sparse_core_info()
_NC, _NS, _L = _info.num_cores, _info.num_subcores, _info.num_lanes
_NW = _NC * _NS

PAIRS = NUM_FIELDS * EMB_DIM
PAIRS_PER_W = PAIRS // _NW
CB = 4096
NCB = BATCH // CB
VTAIL = VOCAB - VOCAB % 128
_SEGS = [(0, 25088), (25088, 24960), (50048, 24960), (75008, 24960)]
TAILW = VOCAB - VTAIL

_mesh = plsc.VectorSubcoreMesh(core_axis_name="c", subcore_axis_name="s")


@functools.partial(
    pl.kernel,
    mesh=_mesh,
    compiler_params=pltpu.CompilerParams(needs_layout_passes=False),
    out_type=jax.ShapeDtypeStruct((PAIRS, BATCH), jnp.float32),
    scratch_types=[
        pltpu.VMEM((VOCAB,), jnp.float32),
        pltpu.VMEM((BATCH,), jnp.int32),
        pltpu.VMEM((2, CB), jnp.float32),
        pltpu.VMEM((EMB_DIM * TAILW,), jnp.float32),
        pltpu.SemaphoreType.DMA,
        pltpu.SemaphoreType.DMA,
        pltpu.SemaphoreType.DMA,
    ],
)
def _emb_lookup(
    wT_hbm, xT_hbm, tail_hbm, out_hbm, vocab_v, x_v, out_v, tail_v, v_sem, x_sem, o_sem
):
    wid = lax.axis_index("s") * _NC + lax.axis_index("c")
    p0 = wid * PAIRS_PER_W
    pltpu.async_copy(xT_hbm.at[p0 // EMB_DIM], x_v, x_sem).wait()
    pltpu.async_copy(tail_hbm.at[p0 // EMB_DIM], tail_v, x_sem).wait()

    def pair_body(i, f_prev):
        p = p0 + i
        f = p // EMB_DIM
        d = p % EMB_DIM
        row = wT_hbm.at[f, d]
        segs = [
            pltpu.async_copy(
                row.at[pl.ds(off, sz)], vocab_v.at[pl.ds(off, sz)], v_sem
            )
            for off, sz in _SEGS
        ]

        @pl.when(f != f_prev)
        def _():
            pltpu.async_copy(xT_hbm.at[f], x_v, x_sem).wait()
            pltpu.async_copy(tail_hbm.at[f], tail_v, x_sem).wait()

        for s in segs:
            s.wait()
        for t in range(TAILW // _L):
            vocab_v[pl.ds(VTAIL + t * _L, _L)] = tail_v[pl.ds(d * TAILW + t * _L, _L)]

        writes = []
        for cb in range(NCB):
            b = cb % 2
            if cb >= 2:
                writes[cb - 2].wait()

            @plsc.parallel_loop(0, CB // _L, step=1, unroll=8)
            def g_body(j):
                idx = x_v[pl.ds(cb * CB + j * _L, _L)]
                out_v[b, pl.ds(j * _L, _L)] = plsc.load_gather(vocab_v, [idx])

            writes.append(
                pltpu.async_copy(
                    out_v.at[b], out_hbm.at[p, pl.ds(cb * CB, CB)], o_sem
                )
            )
        for w in writes[-2:]:
            w.wait()
        return f

    lax.fori_loop(0, PAIRS_PER_W, pair_body, p0 // EMB_DIM)


def kernel(x, W):
    wT = jnp.transpose(W, (0, 2, 1))
    xT = x.astype(jnp.int32).T
    tails = wT[:, :, VTAIL:].reshape(NUM_FIELDS, EMB_DIM * TAILW)
    out = _emb_lookup(wT, xT, tails)
    return out.T

# --- scband reference (transcript-rebuilt; emitter-appended) ---
"""Pipeline reference for scband-embedding-layer-25168508355376 (READ-ONLY COPY).

The authoritative reference and input builder live on the scoring server;
editing this copy changes nothing except your own understanding.
"""

import jax, jax.numpy as jnp
import numpy as np

NUM_FIELDS = 26
VOCAB = 100000
EMB_DIM = 32
BATCH = 16384


def setup_inputs(seed: int = 0) -> dict:
    key = jax.random.key(seed)
    k_idx, k_w = jax.random.split(key)
    x = jax.random.randint(k_idx, (BATCH, NUM_FIELDS), 0, VOCAB, dtype=jnp.int64 if jax.config.jax_enable_x64 else jnp.int32)
    # One embedding table per categorical field, all (VOCAB, EMB_DIM); stacked for convenience.
    # xavier_normal with gain=calculate_gain('relu')=sqrt(2): std = sqrt(2)*sqrt(2/(VOCAB+EMB_DIM))
    std = np.sqrt(2.0) * np.sqrt(2.0 / (VOCAB + EMB_DIM))
    W = jax.random.normal(k_w, (NUM_FIELDS, VOCAB, EMB_DIM), dtype=jnp.float32) * std
    return {"x": x, "W": W}


def reference(x, W):
    # Equivalent to: concat([embeddings[i](x[..., i]) for i in range(NUM_FIELDS)], dim=-1)
    field_ids = jnp.arange(NUM_FIELDS)
    gathered = W[field_ids[None, :], x]  # [B, NUM_FIELDS, EMB_DIM], gather per field
    out = gathered.reshape(x.shape[0], NUM_FIELDS * EMB_DIM)  # concat along last dim in field order
    return out

if __name__ == "__main__":
    import jax
    _d = setup_inputs()
    print(jax.jit(kernel)(*tuple(_d.values())))

</pallas_src>

<mosaic_0001>
#map = affine_map<(d0, d1) -> (0, 0, 0)>
#map1 = affine_map<(d0, d1) -> (0, 0)>
module attributes {stable_mosaic.version = 14 : i64} {
  func.func @_emb_lookup(%arg0: i32, %arg1: i32, %arg2: memref<26x32x100000xf32, #tpu.memory_space<hbm>>, %arg3: memref<26x16384xi32, #tpu.memory_space<hbm>>, %arg4: memref<26x1024xf32, #tpu.memory_space<hbm>>, %arg5: memref<832x16384xf32, #tpu.memory_space<hbm>>, %arg6: memref<100000xf32, #tpu.memory_space<vmem>>, %arg7: memref<16384xi32, #tpu.memory_space<vmem>>, %arg8: memref<2x4096xf32, #tpu.memory_space<vmem>>, %arg9: memref<1024xf32, #tpu.memory_space<vmem>>, %arg10: memref<!tpu.dma_semaphore, #tpu.memory_space<semaphore_mem>>, %arg11: memref<!tpu.dma_semaphore, #tpu.memory_space<semaphore_mem>>, %arg12: memref<!tpu.dma_semaphore, #tpu.memory_space<semaphore_mem>>) attributes {dimension_semantics = [#tpu.dimension_semantics<core_parallel>, #tpu.dimension_semantics<subcore_parallel>], iteration_bounds = array<i64: 2, 16>, scalar_prefetch = 0 : i64, scratch_operands = 7 : i64, tpu.core_type = #tpu.core_type<sc_vector_subcore>, window_params = [{transform_indices = #map}, {transform_indices = #map1}, {transform_indices = #map1}, {transform_indices = #map1}]} {
    %mul3A = arith.constant 2 : i32
    %mul3A_0 = arith.muli %arg1, %mul3A : i32
    %add3A = arith.addi %mul3A_0, %arg0 : i32
    %mul3A_1 = arith.constant 26 : i32
    %mul3A_2 = arith.muli %add3A, %mul3A_1 : i32
    %jit3A = arith.constant 32 : i32
    %div3A = arith.divsi %mul3A_2, %jit3A : i32
    %sign3A = arith.constant 0 : i32
    %sign3A_3 = arith.cmpi sgt, %mul3A_2, %sign3A : i32
    %sign3A_4 = arith.extui %sign3A_3 : i1 to i32
    %sign3A_5 = arith.constant 0 : i32
    %sign3A_6 = arith.cmpi slt, %mul3A_2, %sign3A_5 : i32
    %sign3A_7 = arith.extui %sign3A_6 : i1 to i32
    %sign3A_8 = arith.subi %sign3A_4, %sign3A_7 : i32
    %sign3A_9 = arith.constant 0 : i32
    %sign3A_10 = arith.cmpi sgt, %jit3A, %sign3A_9 : i32
    %sign3A_11 = arith.extui %sign3A_10 : i1 to i32
    %sign3A_12 = arith.constant 0 : i32
    %sign3A_13 = arith.cmpi slt, %jit3A, %sign3A_12 : i32
    %sign3A_14 = arith.extui %sign3A_13 : i1 to i32
    %sign3A_15 = arith.subi %sign3A_11, %sign3A_14 : i32
    %ne3A = arith.cmpi ne, %sign3A_8, %sign3A_15 : i32
    %rem3A = arith.remsi %mul3A_2, %jit3A : i32
    %ne3A_16 = arith.constant 0 : i32
    %ne3A_17 = arith.cmpi ne, %rem3A, %ne3A_16 : i32
    %and3A = arith.andi %ne3A, %ne3A_17 : i1
    %sub3A = arith.constant 1 : i32
    %sub3A_18 = arith.subi %div3A, %sub3A : i32
    %select_n3A = arith.select %and3A, %sub3A_18, %div3A : i32
    %dma_start3A = arith.constant 0 : i32
    %dma_start3A_19 = tpu.memref_slice %arg3[%select_n3A, %dma_start3A] : memref<26x16384xi32, #tpu.memory_space<hbm>> -> memref<1x16384xi32, #tpu.memory_space<hbm>>
    %dma_start3A_20 = tpu.memref_squeeze %dma_start3A_19 : memref<1x16384xi32, #tpu.memory_space<hbm>> -> memref<16384xi32, #tpu.memory_space<hbm>>
    %dma_start3A_21 = arith.constant 0 : i32
    %dma_start3A_22 = tpu.memref_slice %arg3[%select_n3A, %dma_start3A_21] : memref<26x16384xi32, #tpu.memory_space<hbm>> -> memref<1x16384xi32, #tpu.memory_space<hbm>>
    %dma_start3A_23 = tpu.memref_squeeze %dma_start3A_22 : memref<1x16384xi32, #tpu.memory_space<hbm>> -> memref<16384xi32, #tpu.memory_space<hbm>>
    tpu.enqueue_dma source(%dma_start3A_23 : memref<16384xi32, #tpu.memory_space<hbm>>) target(%arg7 : memref<16384xi32, #tpu.memory_space<vmem>>) target_semaphore(%arg11 : memref<!tpu.dma_semaphore, #tpu.memory_space<semaphore_mem>>)
    %dma_wait3A = arith.constant 0 : i32
    %dma_wait3A_24 = tpu.memref_slice %arg3[%select_n3A, %dma_wait3A] : memref<26x16384xi32, #tpu.memory_space<hbm>> -> memref<1x16384xi32, #tpu.memory_space<hbm>>
    %dma_wait3A_25 = tpu.memref_squeeze %dma_wait3A_24 : memref<1x16384xi32, #tpu.memory_space<hbm>> -> memref<16384xi32, #tpu.memory_space<hbm>>
    %dma_wait3A_26 = arith.constant 0 : i32
    %dma_wait3A_27 = tpu.memref_slice %arg3[%select_n3A, %dma_wait3A_26] : memref<26x16384xi32, #tpu.memory_space<hbm>> -> memref<1x16384xi32, #tpu.memory_space<hbm>>
    %dma_wait3A_28 = tpu.memref_squeeze %dma_wait3A_27 : memref<1x16384xi32, #tpu.memory_space<hbm>> -> memref<16384xi32, #tpu.memory_space<hbm>>
    tpu.wait_dma2 semaphore(%arg11 : memref<!tpu.dma_semaphore, #tpu.memory_space<semaphore_mem>>) src(%dma_wait3A_28 : memref<16384xi32, #tpu.memory_space<hbm>>) dst(%arg7 : memref<16384xi32, #tpu.memory_space<vmem>>)
    %jit3A_29 = arith.constant 32 : i32
    %div3A_30 = arith.divsi %mul3A_2, %jit3A_29 : i32
    %sign3A_31 = arith.constant 0 : i32
    %sign3A_32 = arith.cmpi sgt, %mul3A_2, %sign3A_31 : i32
    %sign3A_33 = arith.extui %sign3A_32 : i1 to i32
    %sign3A_34 = arith.constant 0 : i32
    %sign3A_35 = arith.cmpi slt, %mul3A_2, %sign3A_34 : i32
    %sign3A_36 = arith.extui %sign3A_35 : i1 to i32
    %sign3A_37 = arith.subi %sign3A_33, %sign3A_36 : i32
    %sign3A_38 = arith.constant 0 : i32
    %sign3A_39 = arith.cmpi sgt, %jit3A_29, %sign3A_38 : i32
    %sign3A_40 = arith.extui %sign3A_39 : i1 to i32
    %sign3A_41 = arith.constant 0 : i32
    %sign3A_42 = arith.cmpi slt, %jit3A_29, %sign3A_41 : i32
    %sign3A_43 = arith.extui %sign3A_42 : i1 to i32
    %sign3A_44 = arith.subi %sign3A_40, %sign3A_43 : i32
    %ne3A_45 = arith.cmpi ne, %sign3A_37, %sign3A_44 : i32
    %rem3A_46 = arith.remsi %mul3A_2, %jit3A_29 : i32
    %ne3A_47 = arith.constant 0 : i32
    %ne3A_48 = arith.cmpi ne, %rem3A_46, %ne3A_47 : i32
    %and3A_49 = arith.andi %ne3A_45, %ne3A_48 : i1
    %sub3A_50 = arith.constant 1 : i32
    %sub3A_51 = arith.subi %div3A_30, %sub3A_50 : i32
    %select_n3A_52 = arith.select %and3A_49, %sub3A_51, %div3A_30 : i32
    %dma_start3A_53 = arith.constant 0 : i32
    %dma_start3A_54 = tpu.memref_slice %arg4[%select_n3A_52, %dma_start3A_53] : memref<26x1024xf32, #tpu.memory_space<hbm>> -> memref<1x1024xf32, #tpu.memory_space<hbm>>
    %dma_start3A_55 = tpu.memref_squeeze %dma_start3A_54 : memref<1x1024xf32, #tpu.memory_space<hbm>> -> memref<1024xf32, #tpu.memory_space<hbm>>
    %dma_start3A_56 = arith.constant 0 : i32
    %dma_start3A_57 = tpu.memref_slice %arg4[%select_n3A_52, %dma_start3A_56] : memref<26x1024xf32, #tpu.memory_space<hbm>> -> memref<1x1024xf32, #tpu.memory_space<hbm>>
    %dma_start3A_58 = tpu.memref_squeeze %dma_start3A_57 : memref<1x1024xf32, #tpu.memory_space<hbm>> -> memref<1024xf32, #tpu.memory_space<hbm>>
    tpu.enqueue_dma source(%dma_start3A_58 : memref<1024xf32, #tpu.memory_space<hbm>>) target(%arg9 : memref<1024xf32, #tpu.memory_space<vmem>>) target_semaphore(%arg11 : memref<!tpu.dma_semaphore, #tpu.memory_space<semaphore_mem>>)
    %dma_wait3A_59 = arith.constant 0 : i32
    %dma_wait3A_60 = tpu.memref_slice %arg4[%select_n3A_52, %dma_wait3A_59] : memref<26x1024xf32, #tpu.memory_space<hbm>> -> memref<1x1024xf32, #tpu.memory_space<hbm>>
    %dma_wait3A_61 = tpu.memref_squeeze %dma_wait3A_60 : memref<1x1024xf32, #tpu.memory_space<hbm>> -> memref<1024xf32, #tpu.memory_space<hbm>>
    %dma_wait3A_62 = arith.constant 0 : i32
    %dma_wait3A_63 = tpu.memref_slice %arg4[%select_n3A_52, %dma_wait3A_62] : memref<26x1024xf32, #tpu.memory_space<hbm>> -> memref<1x1024xf32, #tpu.memory_space<hbm>>
    %dma_wait3A_64 = tpu.memref_squeeze %dma_wait3A_63 : memref<1x1024xf32, #tpu.memory_space<hbm>> -> memref<1024xf32, #tpu.memory_space<hbm>>
    tpu.wait_dma2 semaphore(%arg11 : memref<!tpu.dma_semaphore, #tpu.memory_space<semaphore_mem>>) src(%dma_wait3A_64 : memref<1024xf32, #tpu.memory_space<hbm>>) dst(%arg9 : memref<1024xf32, #tpu.memory_space<vmem>>)
    %jit3A_65 = arith.constant 32 : i32
    %div3A_66 = arith.divsi %mul3A_2, %jit3A_65 : i32
    %sign3A_67 = arith.constant 0 : i32
    %sign3A_68 = arith.cmpi sgt, %mul3A_2, %sign3A_67 : i32
    %sign3A_69 = arith.extui %sign3A_68 : i1 to i32
    %sign3A_70 = arith.constant 0 : i32
    %sign3A_71 = arith.cmpi slt, %mul3A_2, %sign3A_70 : i32
    %sign3A_72 = arith.extui %sign3A_71 : i1 to i32
    %sign3A_73 = arith.subi %sign3A_69, %sign3A_72 : i32
    %sign3A_74 = arith.constant 0 : i32
    %sign3A_75 = arith.cmpi sgt, %jit3A_65, %sign3A_74 : i32
    %sign3A_76 = arith.extui %sign3A_75 : i1 to i32
    %sign3A_77 = arith.constant 0 : i32
    %sign3A_78 = arith.cmpi slt, %jit3A_65, %sign3A_77 : i32
    %sign3A_79 = arith.extui %sign3A_78 : i1 to i32
    %sign3A_80 = arith.subi %sign3A_76, %sign3A_79 : i32
    %ne3A_81 = arith.cmpi ne, %sign3A_73, %sign3A_80 : i32
    %rem3A_82 = arith.remsi %mul3A_2, %jit3A_65 : i32
    %ne3A_83 = arith.constant 0 : i32
    %ne3A_84 = arith.cmpi ne, %rem3A_82, %ne3A_83 : i32
    %and3A_85 = arith.andi %ne3A_81, %ne3A_84 : i1
    %sub3A_86 = arith.constant 1 : i32
    %sub3A_87 = arith.subi %div3A_66, %sub3A_86 : i32
    %select_n3A_88 = arith.select %and3A_85, %sub3A_87, %div3A_66 : i32
    %scan3A = arith.constant 0 : i32
    %scan3A_89 = arith.constant 26 : i32
    %scan3A_90 = arith.addi %scan3A, %scan3A_89 : i32
    %scan3A_91 = arith.constant 1 : i32
    %scan3A_92 = scf.for %scan3A_94 = %scan3A to %scan3A_90 step %scan3A_91 iter_args(%scan3A_95 = %select_n3A_88) -> (i32)  : i32 {
      %add3A_96 = arith.addi %mul3A_2, %scan3A_94 : i32
      %jit3A_97 = arith.constant 32 : i32
      %div3A_98 = arith.divsi %add3A_96, %jit3A_97 : i32
      %sign3A_99 = arith.constant 0 : i32
      %sign3A_100 = arith.cmpi sgt, %add3A_96, %sign3A_99 : i32
      %sign3A_101 = arith.extui %sign3A_100 : i1 to i32
      %sign3A_102 = arith.constant 0 : i32
      %sign3A_103 = arith.cmpi slt, %add3A_96, %sign3A_102 : i32
      %sign3A_104 = arith.extui %sign3A_103 : i1 to i32
      %sign3A_105 = arith.subi %sign3A_101, %sign3A_104 : i32
      %sign3A_106 = arith.constant 0 : i32
      %sign3A_107 = arith.cmpi sgt, %jit3A_97, %sign3A_106 : i32
      %sign3A_108 = arith.extui %sign3A_107 : i1 to i32
      %sign3A_109 = arith.constant 0 : i32
      %sign3A_110 = arith.cmpi slt, %jit3A_97, %sign3A_109 : i32
      %sign3A_111 = arith.extui %sign3A_110 : i1 to i32
      %sign3A_112 = arith.subi %sign3A_108, %sign3A_111 : i32
      %ne3A_113 = arith.cmpi ne, %sign3A_105, %sign3A_112 : i32
      %rem3A_114 = arith.remsi %add3A_96, %jit3A_97 : i32
      %ne3A_115 = arith.constant 0 : i32
      %ne3A_116 = arith.cmpi ne, %rem3A_114, %ne3A_115 : i32
      %and3A_117 = arith.andi %ne3A_113, %ne3A_116 : i1
      %sub3A_118 = arith.constant 1 : i32
      %sub3A_119 = arith.subi %div3A_98, %sub3A_118 : i32
      %select_n3A_120 = arith.select %and3A_117, %sub3A_119, %div3A_98 : i32
      %jit3A_121 = arith.constant 32 : i32
      %eq3A = arith.constant 0 : i32
      %eq3A_122 = arith.cmpi eq, %jit3A_121, %eq3A : i32
      %jit3A_123 = arith.constant 1 : i32
      %select_n3A_124 = arith.select %eq3A_122, %jit3A_123, %jit3A_121 : i32
      %rem3A_125 = arith.remsi %add3A_96, %select_n3A_124 : i32
      %ne3A_126 = arith.constant 0 : i32
      %ne3A_127 = arith.cmpi ne, %rem3A_125, %ne3A_126 : i32
      %lt3A = arith.constant 0 : i32
      %lt3A_128 = arith.cmpi slt, %rem3A_125, %lt3A : i32
      %lt3A_129 = arith.constant 0 : i32
      %lt3A_130 = arith.cmpi slt, %select_n3A_124, %lt3A_129 : i32
      %ne3A_131 = arith.xori %lt3A_128, %lt3A_130 : i1
      %and3A_132 = arith.andi %ne3A_131, %ne3A_127 : i1
      %add3A_133 = arith.addi %rem3A_125, %select_n3A_124 : i32
      %select_n3A_134 = arith.select %and3A_132, %add3A_133, %rem3A_125 : i32
      %dma_start3A_135 = arith.constant 0 : i32
      %dma_start3A_136 = tpu.memref_slice %arg6[%dma_start3A_135] : memref<100000xf32, #tpu.memory_space<vmem>> -> memref<25088xf32, #tpu.memory_space<vmem>>
      %dma_start3A_137 = arith.constant 0 : i32
      %dma_start3A_138 = tpu.memref_slice %arg2[%select_n3A_120, %select_n3A_134, %dma_start3A_137] : memref<26x32x100000xf32, #tpu.memory_space<hbm>> -> memref<1x1x100000xf32, #tpu.memory_space<hbm>>
      %dma_start3A_139 = tpu.memref_squeeze %dma_start3A_138 : memref<1x1x100000xf32, #tpu.memory_space<hbm>> -> memref<100000xf32, #tpu.memory_space<hbm>>
      %dma_start3A_140 = arith.constant 0 : i32
      %dma_start3A_141 = tpu.memref_slice %dma_start3A_139[%dma_start3A_140] : memref<100000xf32, #tpu.memory_space<hbm>> -> memref<25088xf32, #tpu.memory_space<hbm>>
      %dma_start3A_142 = arith.constant 0 : i32
      %dma_start3A_143 = tpu.memref_slice %arg6[%dma_start3A_142] : memref<100000xf32, #tpu.memory_space<vmem>> -> memref<25088xf32, #tpu.memory_space<vmem>>
      %dma_start3A_144 = arith.constant 0 : i32
      %dma_start3A_145 = tpu.memref_slice %arg2[%select_n3A_120, %select_n3A_134, %dma_start3A_144] : memref<26x32x100000xf32, #tpu.memory_space<hbm>> -> memref<1x1x100000xf32, #tpu.memory_space<hbm>>
      %dma_start3A_146 = tpu.memref_squeeze %dma_start3A_145 : memref<1x1x100000xf32, #tpu.memory_space<hbm>> -> memref<100000xf32, #tpu.memory_space<hbm>>
      %dma_start3A_147 = arith.constant 0 : i32
      %dma_start3A_148 = tpu.memref_slice %dma_start3A_146[%dma_start3A_147] : memref<100000xf32, #tpu.memory_space<hbm>> -> memref<25088xf32, #tpu.memory_space<hbm>>
      tpu.enqueue_dma source(%dma_start3A_148 : memref<25088xf32, #tpu.memory_space<hbm>>) target(%dma_start3A_143 : memref<25088xf32, #tpu.memory_space<vmem>>) target_semaphore(%arg10 : memref<!tpu.dma_semaphore, #tpu.memory_space<semaphore_mem>>)
      %dma_start3A_149 = arith.constant 25088 : i32
      %dma_start3A_150 = tpu.memref_slice %arg6[%dma_start3A_149] : memref<100000xf32, #tpu.memory_space<vmem>> -> memref<24960xf32, #tpu.memory_space<vmem>>
      %dma_start3A_151 = arith.constant 0 : i32
      %dma_start3A_152 = tpu.memref_slice %arg2[%select_n3A_120, %select_n3A_134, %dma_start3A_151] : memref<26x32x100000xf32, #tpu.memory_space<hbm>> -> memref<1x1x100000xf32, #tpu.memory_space<hbm>>
      %dma_start3A_153 = tpu.memref_squeeze %dma_start3A_152 : memref<1x1x100000xf32, #tpu.memory_space<hbm>> -> memref<100000xf32, #tpu.memory_space<hbm>>
      %dma_start3A_154 = arith.constant 25088 : i32
      %dma_start3A_155 = tpu.memref_slice %dma_start3A_153[%dma_start3A_154] : memref<100000xf32, #tpu.memory_space<hbm>> -> memref<24960xf32, #tpu.memory_space<hbm>>
      %dma_start3A_156 = arith.constant 25088 : i32
      %dma_start3A_157 = tpu.memref_slice %arg6[%dma_start3A_156] : memref<100000xf32, #tpu.memory_space<vmem>> -> memref<24960xf32, #tpu.memory_space<vmem>>
      %dma_start3A_158 = arith.constant 0 : i32
      %dma_start3A_159 = tpu.memref_slice %arg2[%select_n3A_120, %select_n3A_134, %dma_start3A_158] : memref<26x32x100000xf32, #tpu.memory_space<hbm>> -> memref<1x1x100000xf32, #tpu.memory_space<hbm>>
      %dma_start3A_160 = tpu.memref_squeeze %dma_start3A_159 : memref<1x1x100000xf32, #tpu.memory_space<hbm>> -> memref<100000xf32, #tpu.memory_space<hbm>>
      %dma_start3A_161 = arith.constant 25088 : i32
      %dma_start3A_162 = tpu.memref_slice %dma_start3A_160[%dma_start3A_161] : memref<100000xf32, #tpu.memory_space<hbm>> -> memref<24960xf32, #tpu.memory_space<hbm>>
      tpu.enqueue_dma source(%dma_start3A_162 : memref<24960xf32, #tpu.memory_space<hbm>>) target(%dma_start3A_157 : memref<24960xf32, #tpu.memory_space<vmem>>) target_semaphore(%arg10 : memref<!tpu.dma_semaphore, #tpu.memory_space<semaphore_mem>>)
      %dma_start3A_163 = arith.constant 50048 : i32
      %dma_start3A_164 = tpu.memref_slice %arg6[%dma_start3A_163] : memref<100000xf32, #tpu.memory_space<vmem>> -> memref<24960xf32, #tpu.memory_space<vmem>>
      %dma_start3A_165 = arith.constant 0 : i32
      %dma_start3A_166 = tpu.memref_slice %arg2[%select_n3A_120, %select_n3A_134, %dma_start3A_165] : memref<26x32x100000xf32, #tpu.memory_space<hbm>> -> memref<1x1x100000xf32, #tpu.memory_space<hbm>>
      %dma_start3A_167 = tpu.memref_squeeze %dma_start3A_166 : memref<1x1x100000xf32, #tpu.memory_space<hbm>> -> memref<100000xf32, #tpu.memory_space<hbm>>
      %dma_start3A_168 = arith.constant 50048 : i32
      %dma_start3A_169 = tpu.memref_slice %dma_start3A_167[%dma_start3A_168] : memref<100000xf32, #tpu.memory_space<hbm>> -> memref<24960xf32, #tpu.memory_space<hbm>>
      %dma_start3A_170 = arith.constant 50048 : i32
      %dma_start3A_171 = tpu.memref_slice %arg6[%dma_start3A_170] : memref<100000xf32, #tpu.memory_space<vmem>> -> memref<24960xf32, #tpu.memory_space<vmem>>
      %dma_start3A_172 = arith.constant 0 : i32
      %dma_start3A_173 = tpu.memref_slice %arg2[%select_n3A_120, %select_n3A_134, %dma_start3A_172] : memref<26x32x100000xf32, #tpu.memory_space<hbm>> -> memref<1x1x100000xf32, #tpu.memory_space<hbm>>
      %dma_start3A_174 = tpu.memref_squeeze %dma_start3A_173 : memref<1x1x100000xf32, #tpu.memory_space<hbm>> -> memref<100000xf32, #tpu.memory_space<hbm>>
      %dma_start3A_175 = arith.constant 50048 : i32
      %dma_start3A_176 = tpu.memref_slice %dma_start3A_174[%dma_start3A_175] : memref<100000xf32, #tpu.memory_space<hbm>> -> memref<24960xf32, #tpu.memory_space<hbm>>
      tpu.enqueue_dma source(%dma_start3A_176 : memref<24960xf32, #tpu.memory_space<hbm>>) target(%dma_start3A_171 : memref<24960xf32, #tpu.memory_space<vmem>>) target_semaphore(%arg10 : memref<!tpu.dma_semaphore, #tpu.memory_space<semaphore_mem>>)
      %dma_start3A_177 = arith.constant 75008 : i32
      %dma_start3A_178 = tpu.memref_slice %arg6[%dma_start3A_177] : memref<100000xf32, #tpu.memory_space<vmem>> -> memref<24960xf32, #tpu.memory_space<vmem>>
      %dma_start3A_179 = arith.constant 0 : i32
      %dma_start3A_180 = tpu.memref_slice %arg2[%select_n3A_120, %select_n3A_134, %dma_start3A_179] : memref<26x32x100000xf32, #tpu.memory_space<hbm>> -> memref<1x1x100000xf32, #tpu.memory_space<hbm>>
      %dma_start3A_181 = tpu.memref_squeeze %dma_start3A_180 : memref<1x1x100000xf32, #tpu.memory_space<hbm>> -> memref<100000xf32, #tpu.memory_space<hbm>>
      %dma_start3A_182 = arith.constant 75008 : i32
      %dma_start3A_183 = tpu.memref_slice %dma_start3A_181[%dma_start3A_182] : memref<100000xf32, #tpu.memory_space<hbm>> -> memref<24960xf32, #tpu.memory_space<hbm>>
      %dma_start3A_184 = arith.constant 75008 : i32
      %dma_start3A_185 = tpu.memref_slice %arg6[%dma_start3A_184] : memref<100000xf32, #tpu.memory_space<vmem>> -> memref<24960xf32, #tpu.memory_space<vmem>>
      %dma_start3A_186 = arith.constant 0 : i32
      %dma_start3A_187 = tpu.memref_slice %arg2[%select_n3A_120, %select_n3A_134, %dma_start3A_186] : memref<26x32x100000xf32, #tpu.memory_space<hbm>> -> memref<1x1x100000xf32, #tpu.memory_space<hbm>>
      %dma_start3A_188 = tpu.memref_squeeze %dma_start3A_187 : memref<1x1x100000xf32, #tpu.memory_space<hbm>> -> memref<100000xf32, #tpu.memory_space<hbm>>
      %dma_start3A_189 = arith.constant 75008 : i32
      %dma_start3A_190 = tpu.memref_slice %dma_start3A_188[%dma_start3A_189] : memref<100000xf32, #tpu.memory_space<hbm>> -> memref<24960xf32, #tpu.memory_space<hbm>>
      tpu.enqueue_dma source(%dma_start3A_190 : memref<24960xf32, #tpu.memory_space<hbm>>) target(%dma_start3A_185 : memref<24960xf32, #tpu.memory_space<vmem>>) target_semaphore(%arg10 : memref<!tpu.dma_semaphore, #tpu.memory_space<semaphore_mem>>)
      %ne3A_191 = arith.cmpi ne, %select_n3A_120, %scan3A_95 : i32
      %convert_element_type3A = arith.extui %ne3A_191 : i1 to i32
      %cond3A = arith.constant 0 : i32
      %cond3A_192 = arith.cmpi ne, %convert_element_type3A, %cond3A : i32
      scf.if %cond3A_192 {
        %dma_start3A_378 = arith.constant 0 : i32
        %dma_start3A_379 = tpu.memref_slice %arg3[%select_n3A_120, %dma_start3A_378] : memref<26x16384xi32, #tpu.memory_space<hbm>> -> memref<1x16384xi32, #tpu.memory_space<hbm>>
        %dma_start3A_380 = tpu.memref_squeeze %dma_start3A_379 : memref<1x16384xi32, #tpu.memory_space<hbm>> -> memref<16384xi32, #tpu.memory_space<hbm>>
        %dma_start3A_381 = arith.constant 0 : i32
        %dma_start3A_382 = tpu.memref_slice %arg3[%select_n3A_120, %dma_start3A_381] : memref<26x16384xi32, #tpu.memory_space<hbm>> -> memref<1x16384xi32, #tpu.memory_space<hbm>>
        %dma_start3A_383 = tpu.memref_squeeze %dma_start3A_382 : memref<1x16384xi32, #tpu.memory_space<hbm>> -> memref<16384xi32, #tpu.memory_space<hbm>>
        tpu.enqueue_dma source(%dma_start3A_383 : memref<16384xi32, #tpu.memory_space<hbm>>) target(%arg7 : memref<16384xi32, #tpu.memory_space<vmem>>) target_semaphore(%arg11 : memref<!tpu.dma_semaphore, #tpu.memory_space<semaphore_mem>>)
        %dma_wait3A_384 = arith.constant 0 : i32
        %dma_wait3A_385 = tpu.memref_slice %arg3[%select_n3A_120, %dma_wait3A_384] : memref<26x16384xi32, #tpu.memory_space<hbm>> -> memref<1x16384xi32, #tpu.memory_space<hbm>>
        %dma_wait3A_386 = tpu.memref_squeeze %dma_wait3A_385 : memref<1x16384xi32, #tpu.memory_space<hbm>> -> memref<16384xi32, #tpu.memory_space<hbm>>
        %dma_wait3A_387 = arith.constant 0 : i32
        %dma_wait3A_388 = tpu.memref_slice %arg3[%select_n3A_120, %dma_wait3A_387] : memref<26x16384xi32, #tpu.memory_space<hbm>> -> memref<1x16384xi32, #tpu.memory_space<hbm>>
        %dma_wait3A_389 = tpu.memref_squeeze %dma_wait3A_388 : memref<1x16384xi32, #tpu.memory_space<hbm>> -> memref<16384xi32, #tpu.memory_space<hbm>>
        tpu.wait_dma2 semaphore(%arg11 : memref<!tpu.dma_semaphore, #tpu.memory_space<semaphore_mem>>) src(%dma_wait3A_389 : memref<16384xi32, #tpu.memory_space<hbm>>) dst(%arg7 : memref<16384xi32, #tpu.memory_space<vmem>>)
        %dma_start3A_390 = arith.constant 0 : i32
        %dma_start3A_391 = tpu.memref_slice %arg4[%select_n3A_120, %dma_start3A_390] : memref<26x1024xf32, #tpu.memory_space<hbm>> -> memref<1x1024xf32, #tpu.memory_space<hbm>>
        %dma_start3A_392 = tpu.memref_squeeze %dma_start3A_391 : memref<1x1024xf32, #tpu.memory_space<hbm>> -> memref<1024xf32, #tpu.memory_space<hbm>>
        %dma_start3A_393 = arith.constant 0 : i32
        %dma_start3A_394 = tpu.memref_slice %arg4[%select_n3A_120, %dma_start3A_393] : memref<26x1024xf32, #tpu.memory_space<hbm>> -> memref<1x1024xf32, #tpu.memory_space<hbm>>
        %dma_start3A_395 = tpu.memref_squeeze %dma_start3A_394 : memref<1x1024xf32, #tpu.memory_space<hbm>> -> memref<1024xf32, #tpu.memory_space<hbm>>
        tpu.enqueue_dma source(%dma_start3A_395 : memref<1024xf32, #tpu.memory_space<hbm>>) target(%arg9 : memref<1024xf32, #tpu.memory_space<vmem>>) target_semaphore(%arg11 : memref<!tpu.dma_semaphore, #tpu.memory_space<semaphore_mem>>)
        %dma_wait3A_396 = arith.constant 0 : i32
        %dma_wait3A_397 = tpu.memref_slice %arg4[%select_n3A_120, %dma_wait3A_396] : memref<26x1024xf32, #tpu.memory_space<hbm>> -> memref<1x1024xf32, #tpu.memory_space<hbm>>
        %dma_wait3A_398 = tpu.memref_squeeze %dma_wait3A_397 : memref<1x1024xf32, #tpu.memory_space<hbm>> -> memref<1024xf32, #tpu.memory_space<hbm>>
        %dma_wait3A_399 = arith.constant 0 : i32
        %dma_wait3A_400 = tpu.memref_slice %arg4[%select_n3A_120, %dma_wait3A_399] : memref<26x1024xf32, #tpu.memory_space<hbm>> -> memref<1x1024xf32, #tpu.memory_space<hbm>>
        %dma_wait3A_401 = tpu.memref_squeeze %dma_wait3A_400 : memref<1x1024xf32, #tpu.memory_space<hbm>> -> memref<1024xf32, #tpu.memory_space<hbm>>
        tpu.wait_dma2 semaphore(%arg11 : memref<!tpu.dma_semaphore, #tpu.memory_space<semaphore_mem>>) src(%dma_wait3A_401 : memref<1024xf32, #tpu.memory_space<hbm>>) dst(%arg9 : memref<1024xf32, #tpu.memory_space<vmem>>)
      } else {
      }
      %dma_wait3A_193 = arith.constant 0 : i32
      %dma_wait3A_194 = tpu.memref_slice %arg6[%dma_wait3A_193] : memref<100000xf32, #tpu.memory_space<vmem>> -> memref<25088xf32, #tpu.memory_space<vmem>>
      %dma_wait3A_195 = arith.constant 0 : i32
      %dma_wait3A_196 = tpu.memref_slice %arg2[%select_n3A_120, %select_n3A_134, %dma_wait3A_195] : memref<26x32x100000xf32, #tpu.memory_space<hbm>> -> memref<1x1x100000xf32, #tpu.memory_space<hbm>>
      %dma_wait3A_197 = tpu.memref_squeeze %dma_wait3A_196 : memref<1x1x100000xf32, #tpu.memory_space<hbm>> -> memref<100000xf32, #tpu.memory_space<hbm>>
      %dma_wait3A_198 = arith.constant 0 : i32
      %dma_wait3A_199 = tpu.memref_slice %dma_wait3A_197[%dma_wait3A_198] : memref<100000xf32, #tpu.memory_space<hbm>> -> memref<25088xf32, #tpu.memory_space<hbm>>
      %dma_wait3A_200 = arith.constant 0 : i32
      %dma_wait3A_201 = tpu.memref_slice %arg6[%dma_wait3A_200] : memref<100000xf32, #tpu.memory_space<vmem>> -> memref<25088xf32, #tpu.memory_space<vmem>>
      %dma_wait3A_202 = arith.constant 0 : i32
      %dma_wait3A_203 = tpu.memref_slice %arg2[%select_n3A_120, %select_n3A_134, %dma_wait3A_202] : memref<26x32x100000xf32, #tpu.memory_space<hbm>> -> memref<1x1x100000xf32, #tpu.memory_space<hbm>>
      %dma_wait3A_204 = tpu.memref_squeeze %dma_wait3A_203 : memref<1x1x100000xf32, #tpu.memory_space<hbm>> -> memref<100000xf32, #tpu.memory_space<hbm>>
      %dma_wait3A_205 = arith.constant 0 : i32
      %dma_wait3A_206 = tpu.memref_slice %dma_wait3A_204[%dma_wait3A_205] : memref<100000xf32, #tpu.memory_space<hbm>> -> memref<25088xf32, #tpu.memory_space<hbm>>
      tpu.wait_dma2 semaphore(%arg10 : memref<!tpu.dma_semaphore, #tpu.memory_space<semaphore_mem>>) src(%dma_wait3A_206 : memref<25088xf32, #tpu.memory_space<hbm>>) dst(%dma_wait3A_201 : memref<25088xf32, #tpu.memory_space<vmem>>)
      %dma_wait3A_207 = arith.constant 25088 : i32
      %dma_wait3A_208 = tpu.memref_slice %arg6[%dma_wait3A_207] : memref<100000xf32, #tpu.memory_space<vmem>> -> memref<24960xf32, #tpu.memory_space<vmem>>
      %dma_wait3A_209 = arith.constant 0 : i32
      %dma_wait3A_210 = tpu.memref_slice %arg2[%select_n3A_120, %select_n3A_134, %dma_wait3A_209] : memref<26x32x100000xf32, #tpu.memory_space<hbm>> -> memref<1x1x100000xf32, #tpu.memory_space<hbm>>
      %dma_wait3A_211 = tpu.memref_squeeze %dma_wait3A_210 : memref<1x1x100000xf32, #tpu.memory_space<hbm>> -> memref<100000xf32, #tpu.memory_space<hbm>>
      %dma_wait3A_212 = arith.constant 25088 : i32
      %dma_wait3A_213 = tpu.memref_slice %dma_wait3A_211[%dma_wait3A_212] : memref<100000xf32, #tpu.memory_space<hbm>> -> memref<24960xf32, #tpu.memory_space<hbm>>
      %dma_wait3A_214 = arith.constant 25088 : i32
      %dma_wait3A_215 = tpu.memref_slice %arg6[%dma_wait3A_214] : memref<100000xf32, #tpu.memory_space<vmem>> -> memref<24960xf32, #tpu.memory_space<vmem>>
      %dma_wait3A_216 = arith.constant 0 : i32
      %dma_wait3A_217 = tpu.memref_slice %arg2[%select_n3A_120, %select_n3A_134, %dma_wait3A_216] : memref<26x32x100000xf32, #tpu.memory_space<hbm>> -> memref<1x1x100000xf32, #tpu.memory_space<hbm>>
      %dma_wait3A_218 = tpu.memref_squeeze %dma_wait3A_217 : memref<1x1x100000xf32, #tpu.memory_space<hbm>> -> memref<100000xf32, #tpu.memory_space<hbm>>
      %dma_wait3A_219 = arith.constant 25088 : i32
      %dma_wait3A_220 = tpu.memref_slice %dma_wait3A_218[%dma_wait3A_219] : memref<100000xf32, #tpu.memory_space<hbm>> -> memref<24960xf32, #tpu.memory_space<hbm>>
      tpu.wait_dma2 semaphore(%arg10 : memref<!tpu.dma_semaphore, #tpu.memory_space<semaphore_mem>>) src(%dma_wait3A_220 : memref<24960xf32, #tpu.memory_space<hbm>>) dst(%dma_wait3A_215 : memref<24960xf32, #tpu.memory_space<vmem>>)
      %dma_wait3A_221 = arith.constant 50048 : i32
      %dma_wait3A_222 = tpu.memref_slice %arg6[%dma_wait3A_221] : memref<100000xf32, #tpu.memory_space<vmem>> -> memref<24960xf32, #tpu.memory_space<vmem>>
      %dma_wait3A_223 = arith.constant 0 : i32
      %dma_wait3A_224 = tpu.memref_slice %arg2[%select_n3A_120, %select_n3A_134, %dma_wait3A_223] : memref<26x32x100000xf32, #tpu.memory_space<hbm>> -> memref<1x1x100000xf32, #tpu.memory_space<hbm>>
      %dma_wait3A_225 = tpu.memref_squeeze %dma_wait3A_224 : memref<1x1x100000xf32, #tpu.memory_space<hbm>> -> memref<100000xf32, #tpu.memory_space<hbm>>
      %dma_wait3A_226 = arith.constant 50048 : i32
      %dma_wait3A_227 = tpu.memref_slice %dma_wait3A_225[%dma_wait3A_226] : memref<100000xf32, #tpu.memory_space<hbm>> -> memref<24960xf32, #tpu.memory_space<hbm>>
      %dma_wait3A_228 = arith.constant 50048 : i32
      %dma_wait3A_229 = tpu.memref_slice %arg6[%dma_wait3A_228] : memref<100000xf32, #tpu.memory_space<vmem>> -> memref<24960xf32, #tpu.memory_space<vmem>>
      %dma_wait3A_230 = arith.constant 0 : i32
      %dma_wait3A_231 = tpu.memref_slice %arg2[%select_n3A_120, %select_n3A_134, %dma_wait3A_230] : memref<26x32x100000xf32, #tpu.memory_space<hbm>> -> memref<1x1x100000xf32, #tpu.memory_space<hbm>>
      %dma_wait3A_232 = tpu.memref_squeeze %dma_wait3A_231 : memref<1x1x100000xf32, #tpu.memory_space<hbm>> -> memref<100000xf32, #tpu.memory_space<hbm>>
      %dma_wait3A_233 = arith.constant 50048 : i32
      %dma_wait3A_234 = tpu.memref_slice %dma_wait3A_232[%dma_wait3A_233] : memref<100000xf32, #tpu.memory_space<hbm>> -> memref<24960xf32, #tpu.memory_space<hbm>>
      tpu.wait_dma2 semaphore(%arg10 : memref<!tpu.dma_semaphore, #tpu.memory_space<semaphore_mem>>) src(%dma_wait3A_234 : memref<24960xf32, #tpu.memory_space<hbm>>) dst(%dma_wait3A_229 : memref<24960xf32, #tpu.memory_space<vmem>>)
      %dma_wait3A_235 = arith.constant 75008 : i32
      %dma_wait3A_236 = tpu.memref_slice %arg6[%dma_wait3A_235] : memref<100000xf32, #tpu.memory_space<vmem>> -> memref<24960xf32, #tpu.memory_space<vmem>>
      %dma_wait3A_237 = arith.constant 0 : i32
      %dma_wait3A_238 = tpu.memref_slice %arg2[%select_n3A_120, %select_n3A_134, %dma_wait3A_237] : memref<26x32x100000xf32, #tpu.memory_space<hbm>> -> memref<1x1x100000xf32, #tpu.memory_space<hbm>>
      %dma_wait3A_239 = tpu.memref_squeeze %dma_wait3A_238 : memref<1x1x100000xf32, #tpu.memory_space<hbm>> -> memref<100000xf32, #tpu.memory_space<hbm>>
      %dma_wait3A_240 = arith.constant 75008 : i32
      %dma_wait3A_241 = tpu.memref_slice %dma_wait3A_239[%dma_wait3A_240] : memref<100000xf32, #tpu.memory_space<hbm>> -> memref<24960xf32, #tpu.memory_space<hbm>>
      %dma_wait3A_242 = arith.constant 75008 : i32
      %dma_wait3A_243 = tpu.memref_slice %arg6[%dma_wait3A_242] : memref<100000xf32, #tpu.memory_space<vmem>> -> memref<24960xf32, #tpu.memory_space<vmem>>
      %dma_wait3A_244 = arith.constant 0 : i32
      %dma_wait3A_245 = tpu.memref_slice %arg2[%select_n3A_120, %select_n3A_134, %dma_wait3A_244] : memref<26x32x100000xf32, #tpu.memory_space<hbm>> -> memref<1x1x100000xf32, #tpu.memory_space<hbm>>
      %dma_wait3A_246 = tpu.memref_squeeze %dma_wait3A_245 : memref<1x1x100000xf32, #tpu.memory_space<hbm>> -> memref<100000xf32, #tpu.memory_space<hbm>>
      %dma_wait3A_247 = arith.constant 75008 : i32
      %dma_wait3A_248 = tpu.memref_slice %dma_wait3A_246[%dma_wait3A_247] : memref<100000xf32, #tpu.memory_space<hbm>> -> memref<24960xf32, #tpu.memory_space<hbm>>
      tpu.wait_dma2 semaphore(%arg10 : memref<!tpu.dma_semaphore, #tpu.memory_space<semaphore_mem>>) src(%dma_wait3A_248 : memref<24960xf32, #tpu.memory_space<hbm>>) dst(%dma_wait3A_243 : memref<24960xf32, #tpu.memory_space<vmem>>)
      %mul3A_249 = arith.constant 32 : i32
      %mul3A_250 = arith.muli %select_n3A_134, %mul3A_249 : i32
      %add3A_251 = arith.constant 0 : i32
      %add3A_252 = arith.addi %mul3A_250, %add3A_251 : i32
      %get3A = arith.index_cast %add3A_252 : i32 to index
      %get3A_253 = tpu.vector_load %arg9[%get3A] {strides = array<i32>} : memref<1024xf32, #tpu.memory_space<vmem>>, vector<16xf32>,
      %swap3A = arith.constant 99968 : index
      %swap3A_254 = tpu.vector_load %arg6[%swap3A] {strides = array<i32>} : memref<100000xf32, #tpu.memory_space<vmem>>, vector<16xf32>,
      tpu.vector_store %arg6[%swap3A], %get3A_253 {strides = array<i32>} : memref<100000xf32, #tpu.memory_space<vmem>>, vector<16xf32>,
      %mul3A_255 = arith.constant 32 : i32
      %mul3A_256 = arith.muli %select_n3A_134, %mul3A_255 : i32
      %add3A_257 = arith.constant 16 : i32
      %add3A_258 = arith.addi %mul3A_256, %add3A_257 : i32
      %get3A_259 = arith.index_cast %add3A_258 : i32 to index
      %get3A_260 = tpu.vector_load %arg9[%get3A_259] {strides = array<i32>} : memref<1024xf32, #tpu.memory_space<vmem>>, vector<16xf32>,
      %swap3A_261 = arith.constant 99984 : index
      %swap3A_262 = tpu.vector_load %arg6[%swap3A_261] {strides = array<i32>} : memref<100000xf32, #tpu.memory_space<vmem>>, vector<16xf32>,
      tpu.vector_store %arg6[%swap3A_261], %get3A_260 {strides = array<i32>} : memref<100000xf32, #tpu.memory_space<vmem>>, vector<16xf32>,
      %parallel_loop3A = arith.constant 0 : i32
      %parallel_loop3A_263 = arith.constant 256 : i32
      %parallel_loop3A_264 = arith.constant 1 : i32
      scf.for %parallel_loop3A_378 = %parallel_loop3A to %parallel_loop3A_263 step %parallel_loop3A_264  : i32 {
        %parallel_loop3A_379 = arith.constant 16 : i32
        %parallel_loop3A_380 = arith.muli %parallel_loop3A_378, %parallel_loop3A_379 : i32
        %parallel_loop3A_381 = arith.constant 0 : i32
        %parallel_loop3A_382 = arith.addi %parallel_loop3A_381, %parallel_loop3A_380 : i32
        %parallel_loop3A_383 = arith.index_cast %parallel_loop3A_382 : i32 to index
        %parallel_loop3A_384 = tpu.vector_load %arg7[%parallel_loop3A_383] {strides = array<i32>} : memref<16384xi32, #tpu.memory_space<vmem>>, vector<16xi32>,
        %parallel_loop3A_385 = tpu.vector_load_idx %arg6[%parallel_loop3A_384] : memref<100000xf32, #tpu.memory_space<vmem>>[vector<16xi32>], vector<16xf32>,
        %parallel_loop3A_386 = arith.constant 16 : i32
        %parallel_loop3A_387 = arith.muli %parallel_loop3A_378, %parallel_loop3A_386 : i32
        %parallel_loop3A_388 = arith.constant 0 : i32
        %parallel_loop3A_389 = arith.index_cast %parallel_loop3A_388 : i32 to index
        %parallel_loop3A_390 = arith.index_cast %parallel_loop3A_387 : i32 to index
        %parallel_loop3A_391 = tpu.vector_load %arg8[%parallel_loop3A_389, %parallel_loop3A_390] {strides = array<i32>} : memref<2x4096xf32, #tpu.memory_space<vmem>>, vector<16xf32>,
        tpu.vector_store %arg8[%parallel_loop3A_389, %parallel_loop3A_390], %parallel_loop3A_385 {strides = array<i32>} : memref<2x4096xf32, #tpu.memory_space<vmem>>, vector<16xf32>,
      } {sc.loop_unroll_factor = 8 : i64, sc.parallel_access}
      %dma_start3A_265 = arith.constant 0 : i32
      %dma_start3A_266 = arith.constant 0 : i32
      %dma_start3A_267 = tpu.memref_slice %arg8[%dma_start3A_265, %dma_start3A_266] : memref<2x4096xf32, #tpu.memory_space<vmem>> -> memref<1x4096xf32, #tpu.memory_space<vmem>>
      %dma_start3A_268 = tpu.memref_squeeze %dma_start3A_267 : memref<1x4096xf32, #tpu.memory_space<vmem>> -> memref<4096xf32, #tpu.memory_space<vmem>>
      %dma_start3A_269 = arith.constant 0 : i32
      %dma_start3A_270 = tpu.memref_slice %arg5[%add3A_96, %dma_start3A_269] : memref<832x16384xf32, #tpu.memory_space<hbm>> -> memref<1x4096xf32, #tpu.memory_space<hbm>>
      %dma_start3A_271 = tpu.memref_squeeze %dma_start3A_270 : memref<1x4096xf32, #tpu.memory_space<hbm>> -> memref<4096xf32, #tpu.memory_space<hbm>>
      %dma_start3A_272 = arith.constant 0 : i32
      %dma_start3A_273 = tpu.memref_slice %arg5[%add3A_96, %dma_start3A_272] : memref<832x16384xf32, #tpu.memory_space<hbm>> -> memref<1x4096xf32, #tpu.memory_space<hbm>>
      %dma_start3A_274 = tpu.memref_squeeze %dma_start3A_273 : memref<1x4096xf32, #tpu.memory_space<hbm>> -> memref<4096xf32, #tpu.memory_space<hbm>>
      %dma_start3A_275 = arith.constant 0 : i32
      %dma_start3A_276 = tpu.memref_slice %arg8[%dma_start3A_265, %dma_start3A_275] : memref<2x4096xf32, #tpu.memory_space<vmem>> -> memref<1x4096xf32, #tpu.memory_space<vmem>>
      %dma_start3A_277 = tpu.memref_squeeze %dma_start3A_276 : memref<1x4096xf32, #tpu.memory_space<vmem>> -> memref<4096xf32, #tpu.memory_space<vmem>>
      tpu.enqueue_dma source(%dma_start3A_277 : memref<4096xf32, #tpu.memory_space<vmem>>) target(%dma_start3A_274 : memref<4096xf32, #tpu.memory_space<hbm>>) target_semaphore(%arg12 : memref<!tpu.dma_semaphore, #tpu.memory_space<semaphore_mem>>)
      %parallel_loop3A_278 = arith.constant 0 : i32
      %parallel_loop3A_279 = arith.constant 256 : i32
      %parallel_loop3A_280 = arith.constant 1 : i32
      scf.for %parallel_loop3A_378 = %parallel_loop3A_278 to %parallel_loop3A_279 step %parallel_loop3A_280  : i32 {
        %parallel_loop3A_379 = arith.constant 16 : i32
        %parallel_loop3A_380 = arith.muli %parallel_loop3A_378, %parallel_loop3A_379 : i32
        %parallel_loop3A_381 = arith.constant 4096 : i32
        %parallel_loop3A_382 = arith.addi %parallel_loop3A_381, %parallel_loop3A_380 : i32
        %parallel_loop3A_383 = arith.index_cast %parallel_loop3A_382 : i32 to index
        %parallel_loop3A_384 = tpu.vector_load %arg7[%parallel_loop3A_383] {strides = array<i32>} : memref<16384xi32, #tpu.memory_space<vmem>>, vector<16xi32>,
        %parallel_loop3A_385 = tpu.vector_load_idx %arg6[%parallel_loop3A_384] : memref<100000xf32, #tpu.memory_space<vmem>>[vector<16xi32>], vector<16xf32>,
        %parallel_loop3A_386 = arith.constant 16 : i32
        %parallel_loop3A_387 = arith.muli %parallel_loop3A_378, %parallel_loop3A_386 : i32
        %parallel_loop3A_388 = arith.constant 1 : i32
        %parallel_loop3A_389 = arith.index_cast %parallel_loop3A_388 : i32 to index
        %parallel_loop3A_390 = arith.index_cast %parallel_loop3A_387 : i32 to index
        %parallel_loop3A_391 = tpu.vector_load %arg8[%parallel_loop3A_389, %parallel_loop3A_390] {strides = array<i32>} : memref<2x4096xf32, #tpu.memory_space<vmem>>, vector<16xf32>,
        tpu.vector_store %arg8[%parallel_loop3A_389, %parallel_loop3A_390], %parallel_loop3A_385 {strides = array<i32>} : memref<2x4096xf32, #tpu.memory_space<vmem>>, vector<16xf32>,
      } {sc.loop_unroll_factor = 8 : i64, sc.parallel_access}
      %dma_start3A_281 = arith.constant 1 : i32
      %dma_start3A_282 = arith.constant 0 : i32
      %dma_start3A_283 = tpu.memref_slice %arg8[%dma_start3A_281, %dma_start3A_282] : memref<2x4096xf32, #tpu.memory_space<vmem>> -> memref<1x4096xf32, #tpu.memory_space<vmem>>
      %dma_start3A_284 = tpu.memref_squeeze %dma_start3A_283 : memref<1x4096xf32, #tpu.memory_space<vmem>> -> memref<4096xf32, #tpu.memory_space<vmem>>
      %dma_start3A_285 = arith.constant 4096 : i32
      %dma_start3A_286 = tpu.memref_slice %arg5[%add3A_96, %dma_start3A_285] : memref<832x16384xf32, #tpu.memory_space<hbm>> -> memref<1x4096xf32, #tpu.memory_space<hbm>>
      %dma_start3A_287 = tpu.memref_squeeze %dma_start3A_286 : memref<1x4096xf32, #tpu.memory_space<hbm>> -> memref<4096xf32, #tpu.memory_space<hbm>>
      %dma_start3A_288 = arith.constant 4096 : i32
      %dma_start3A_289 = tpu.memref_slice %arg5[%add3A_96, %dma_start3A_288] : memref<832x16384xf32, #tpu.memory_space<hbm>> -> memref<1x4096xf32, #tpu.memory_space<hbm>>
      %dma_start3A_290 = tpu.memref_squeeze %dma_start3A_289 : memref<1x4096xf32, #tpu.memory_space<hbm>> -> memref<4096xf32, #tpu.memory_space<hbm>>
      %dma_start3A_291 = arith.constant 0 : i32
      %dma_start3A_292 = tpu.memref_slice %arg8[%dma_start3A_281, %dma_start3A_291] : memref<2x4096xf32, #tpu.memory_space<vmem>> -> memref<1x4096xf32, #tpu.memory_space<vmem>>
      %dma_start3A_293 = tpu.memref_squeeze %dma_start3A_292 : memref<1x4096xf32, #tpu.memory_space<vmem>> -> memref<4096xf32, #tpu.memory_space<vmem>>
      tpu.enqueue_dma source(%dma_start3A_293 : memref<4096xf32, #tpu.memory_space<vmem>>) target(%dma_start3A_290 : memref<4096xf32, #tpu.memory_space<hbm>>) target_semaphore(%arg12 : memref<!tpu.dma_semaphore, #tpu.memory_space<semaphore_mem>>)
      %dma_wait3A_294 = arith.constant 0 : i32
      %dma_wait3A_295 = arith.constant 0 : i32
      %dma_wait3A_296 = tpu.memref_slice %arg8[%dma_wait3A_294, %dma_wait3A_295] : memref<2x4096xf32, #tpu.memory_space<vmem>> -> memref<1x4096xf32, #tpu.memory_space<vmem>>
      %dma_wait3A_297 = tpu.memref_squeeze %dma_wait3A_296 : memref<1x4096xf32, #tpu.memory_space<vmem>> -> memref<4096xf32, #tpu.memory_space<vmem>>
      %dma_wait3A_298 = arith.constant 0 : i32
      %dma_wait3A_299 = tpu.memref_slice %arg5[%add3A_96, %dma_wait3A_298] : memref<832x16384xf32, #tpu.memory_space<hbm>> -> memref<1x4096xf32, #tpu.memory_space<hbm>>
      %dma_wait3A_300 = tpu.memref_squeeze %dma_wait3A_299 : memref<1x4096xf32, #tpu.memory_space<hbm>> -> memref<4096xf32, #tpu.memory_space<hbm>>
      %dma_wait3A_301 = arith.constant 0 : i32
      %dma_wait3A_302 = tpu.memref_slice %arg5[%add3A_96, %dma_wait3A_301] : memref<832x16384xf32, #tpu.memory_space<hbm>> -> memref<1x4096xf32, #tpu.memory_space<hbm>>
      %dma_wait3A_303 = tpu.memref_squeeze %dma_wait3A_302 : memref<1x4096xf32, #tpu.memory_space<hbm>> -> memref<4096xf32, #tpu.memory_space<hbm>>
      %dma_wait3A_304 = arith.constant 0 : i32
      %dma_wait3A_305 = tpu.memref_slice %arg8[%dma_wait3A_294, %dma_wait3A_304] : memref<2x4096xf32, #tpu.memory_space<vmem>> -> memref<1x4096xf32, #tpu.memory_space<vmem>>
      %dma_wait3A_306 = tpu.memref_squeeze %dma_wait3A_305 : memref<1x4096xf32, #tpu.memory_space<vmem>> -> memref<4096xf32, #tpu.memory_space<vmem>>
      tpu.wait_dma2 semaphore(%arg12 : memref<!tpu.dma_semaphore, #tpu.memory_space<semaphore_mem>>) src(%dma_wait3A_306 : memref<4096xf32, #tpu.memory_space<vmem>>) dst(%dma_wait3A_303 : memref<4096xf32, #tpu.memory_space<hbm>>)
      %parallel_loop3A_307 = arith.constant 0 : i32
      %parallel_loop3A_308 = arith.constant 256 : i32
      %parallel_loop3A_309 = arith.constant 1 : i32
      scf.for %parallel_loop3A_378 = %parallel_loop3A_307 to %parallel_loop3A_308 step %parallel_loop3A_309  : i32 {
        %parallel_loop3A_379 = arith.constant 16 : i32
        %parallel_loop3A_380 = arith.muli %parallel_loop3A_378, %parallel_loop3A_379 : i32
        %parallel_loop3A_381 = arith.constant 8192 : i32
        %parallel_loop3A_382 = arith.addi %parallel_loop3A_381, %parallel_loop3A_380 : i32
        %parallel_loop3A_383 = arith.index_cast %parallel_loop3A_382 : i32 to index
        %parallel_loop3A_384 = tpu.vector_load %arg7[%parallel_loop3A_383] {strides = array<i32>} : memref<16384xi32, #tpu.memory_space<vmem>>, vector<16xi32>,
        %parallel_loop3A_385 = tpu.vector_load_idx %arg6[%parallel_loop3A_384] : memref<100000xf32, #tpu.memory_space<vmem>>[vector<16xi32>], vector<16xf32>,
        %parallel_loop3A_386 = arith.constant 16 : i32
        %parallel_loop3A_387 = arith.muli %parallel_loop3A_378, %parallel_loop3A_386 : i32
        %parallel_loop3A_388 = arith.constant 0 : i32
        %parallel_loop3A_389 = arith.index_cast %parallel_loop3A_388 : i32 to index
        %parallel_loop3A_390 = arith.index_cast %parallel_loop3A_387 : i32 to index
        %parallel_loop3A_391 = tpu.vector_load %arg8[%parallel_loop3A_389, %parallel_loop3A_390] {strides = array<i32>} : memref<2x4096xf32, #tpu.memory_space<vmem>>, vector<16xf32>,
        tpu.vector_store %arg8[%parallel_loop3A_389, %parallel_loop3A_390], %parallel_loop3A_385 {strides = array<i32>} : memref<2x4096xf32, #tpu.memory_space<vmem>>, vector<16xf32>,
      } {sc.loop_unroll_factor = 8 : i64, sc.parallel_access}
      %dma_start3A_310 = arith.constant 0 : i32
      %dma_start3A_311 = arith.constant 0 : i32
      %dma_start3A_312 = tpu.memref_slice %arg8[%dma_start3A_310, %dma_start3A_311] : memref<2x4096xf32, #tpu.memory_space<vmem>> -> memref<1x4096xf32, #tpu.memory_space<vmem>>
      %dma_start3A_313 = tpu.memref_squeeze %dma_start3A_312 : memref<1x4096xf32, #tpu.memory_space<vmem>> -> memref<4096xf32, #tpu.memory_space<vmem>>
      %dma_start3A_314 = arith.constant 8192 : i32
      %dma_start3A_315 = tpu.memref_slice %arg5[%add3A_96, %dma_start3A_314] : memref<832x16384xf32, #tpu.memory_space<hbm>> -> memref<1x4096xf32, #tpu.memory_space<hbm>>
      %dma_start3A_316 = tpu.memref_squeeze %dma_start3A_315 : memref<1x4096xf32, #tpu.memory_space<hbm>> -> memref<4096xf32, #tpu.memory_space<hbm>>
      %dma_start3A_317 = arith.constant 8192 : i32
      %dma_start3A_318 = tpu.memref_slice %arg5[%add3A_96, %dma_start3A_317] : memref<832x16384xf32, #tpu.memory_space<hbm>> -> memref<1x4096xf32, #tpu.memory_space<hbm>>
      %dma_start3A_319 = tpu.memref_squeeze %dma_start3A_318 : memref<1x4096xf32, #tpu.memory_space<hbm>> -> memref<4096xf32, #tpu.memory_space<hbm>>
      %dma_start3A_320 = arith.constant 0 : i32
      %dma_start3A_321 = tpu.memref_slice %arg8[%dma_start3A_310, %dma_start3A_320] : memref<2x4096xf32, #tpu.memory_space<vmem>> -> memref<1x4096xf32, #tpu.memory_space<vmem>>
      %dma_start3A_322 = tpu.memref_squeeze %dma_start3A_321 : memref<1x4096xf32, #tpu.memory_space<vmem>> -> memref<4096xf32, #tpu.memory_space<vmem>>
      tpu.enqueue_dma source(%dma_start3A_322 : memref<4096xf32, #tpu.memory_space<vmem>>) target(%dma_start3A_319 : memref<4096xf32, #tpu.memory_space<hbm>>) target_semaphore(%arg12 : memref<!tpu.dma_semaphore, #tpu.memory_space<semaphore_mem>>)
      %dma_wait3A_323 = arith.constant 1 : i32
      %dma_wait3A_324 = arith.constant 0 : i32
      %dma_wait3A_325 = tpu.memref_slice %arg8[%dma_wait3A_323, %dma_wait3A_324] : memref<2x4096xf32, #tpu.memory_space<vmem>> -> memref<1x4096xf32, #tpu.memory_space<vmem>>
      %dma_wait3A_326 = tpu.memref_squeeze %dma_wait3A_325 : memref<1x4096xf32, #tpu.memory_space<vmem>> -> memref<4096xf32, #tpu.memory_space<vmem>>
      %dma_wait3A_327 = arith.constant 4096 : i32
      %dma_wait3A_328 = tpu.memref_slice %arg5[%add3A_96, %dma_wait3A_327] : memref<832x16384xf32, #tpu.memory_space<hbm>> -> memref<1x4096xf32, #tpu.memory_space<hbm>>
      %dma_wait3A_329 = tpu.memref_squeeze %dma_wait3A_328 : memref<1x4096xf32, #tpu.memory_space<hbm>> -> memref<4096xf32, #tpu.memory_space<hbm>>
      %dma_wait3A_330 = arith.constant 4096 : i32
      %dma_wait3A_331 = tpu.memref_slice %arg5[%add3A_96, %dma_wait3A_330] : memref<832x16384xf32, #tpu.memory_space<hbm>> -> memref<1x4096xf32, #tpu.memory_space<hbm>>
      %dma_wait3A_332 = tpu.memref_squeeze %dma_wait3A_331 : memref<1x4096xf32, #tpu.memory_space<hbm>> -> memref<4096xf32, #tpu.memory_space<hbm>>
      %dma_wait3A_333 = arith.constant 0 : i32
      %dma_wait3A_334 = tpu.memref_slice %arg8[%dma_wait3A_323, %dma_wait3A_333] : memref<2x4096xf32, #tpu.memory_space<vmem>> -> memref<1x4096xf32, #tpu.memory_space<vmem>>
      %dma_wait3A_335 = tpu.memref_squeeze %dma_wait3A_334 : memref<1x4096xf32, #tpu.memory_space<vmem>> -> memref<4096xf32, #tpu.memory_space<vmem>>
      tpu.wait_dma2 semaphore(%arg12 : memref<!tpu.dma_semaphore, #tpu.memory_space<semaphore_mem>>) src(%dma_wait3A_335 : memref<4096xf32, #tpu.memory_space<vmem>>) dst(%dma_wait3A_332 : memref<4096xf32, #tpu.memory_space<hbm>>)
      %parallel_loop3A_336 = arith.constant 0 : i32
      %parallel_loop3A_337 = arith.constant 256 : i32
      %parallel_loop3A_338 = arith.constant 1 : i32
      scf.for %parallel_loop3A_378 = %parallel_loop3A_336 to %parallel_loop3A_337 step %parallel_loop3A_338  : i32 {
        %parallel_loop3A_379 = arith.constant 16 : i32
        %parallel_loop3A_380 = arith.muli %parallel_loop3A_378, %parallel_loop3A_379 : i32
        %parallel_loop3A_381 = arith.constant 12288 : i32
        %parallel_loop3A_382 = arith.addi %parallel_loop3A_381, %parallel_loop3A_380 : i32
        %parallel_loop3A_383 = arith.index_cast %parallel_loop3A_382 : i32 to index
        %parallel_loop3A_384 = tpu.vector_load %arg7[%parallel_loop3A_383] {strides = array<i32>} : memref<16384xi32, #tpu.memory_space<vmem>>, vector<16xi32>,
        %parallel_loop3A_385 = tpu.vector_load_idx %arg6[%parallel_loop3A_384] : memref<100000xf32, #tpu.memory_space<vmem>>[vector<16xi32>], vector<16xf32>,
        %parallel_loop3A_386 = arith.constant 16 : i32
        %parallel_loop3A_387 = arith.muli %parallel_loop3A_378, %parallel_loop3A_386 : i32
        %parallel_loop3A_388 = arith.constant 1 : i32
        %parallel_loop3A_389 = arith.index_cast %parallel_loop3A_388 : i32 to index
        %parallel_loop3A_390 = arith.index_cast %parallel_loop3A_387 : i32 to index
        %parallel_loop3A_391 = tpu.vector_load %arg8[%parallel_loop3A_389, %parallel_loop3A_390] {strides = array<i32>} : memref<2x4096xf32, #tpu.memory_space<vmem>>, vector<16xf32>,
        tpu.vector_store %arg8[%parallel_loop3A_389, %parallel_loop3A_390], %parallel_loop3A_385 {strides = array<i32>} : memref<2x4096xf32, #tpu.memory_space<vmem>>, vector<16xf32>,
      } {sc.loop_unroll_factor = 8 : i64, sc.parallel_access}
      %dma_start3A_339 = arith.constant 1 : i32
      %dma_start3A_340 = arith.constant 0 : i32
      %dma_start3A_341 = tpu.memref_slice %arg8[%dma_start3A_339, %dma_start3A_340] : memref<2x4096xf32, #tpu.memory_space<vmem>> -> memref<1x4096xf32, #tpu.memory_space<vmem>>
      %dma_start3A_342 = tpu.memref_squeeze %dma_start3A_341 : memref<1x4096xf32, #tpu.memory_space<vmem>> -> memref<4096xf32, #tpu.memory_space<vmem>>
      %dma_start3A_343 = arith.constant 12288 : i32
      %dma_start3A_344 = tpu.memref_slice %arg5[%add3A_96, %dma_start3A_343] : memref<832x16384xf32, #tpu.memory_space<hbm>> -> memref<1x4096xf32, #tpu.memory_space<hbm>>
      %dma_start3A_345 = tpu.memref_squeeze %dma_start3A_344 : memref<1x4096xf32, #tpu.memory_space<hbm>> -> memref<4096xf32, #tpu.memory_space<hbm>>
      %dma_start3A_346 = arith.constant 12288 : i32
      %dma_start3A_347 = tpu.memref_slice %arg5[%add3A_96, %dma_start3A_346] : memref<832x16384xf32, #tpu.memory_space<hbm>> -> memref<1x4096xf32, #tpu.memory_space<hbm>>
      %dma_start3A_348 = tpu.memref_squeeze %dma_start3A_347 : memref<1x4096xf32, #tpu.memory_space<hbm>> -> memref<4096xf32, #tpu.memory_space<hbm>>
      %dma_start3A_349 = arith.constant 0 : i32
      %dma_start3A_350 = tpu.memref_slice %arg8[%dma_start3A_339, %dma_start3A_349] : memref<2x4096xf32, #tpu.memory_space<vmem>> -> memref<1x4096xf32, #tpu.memory_space<vmem>>
      %dma_start3A_351 = tpu.memref_squeeze %dma_start3A_350 : memref<1x4096xf32, #tpu.memory_space<vmem>> -> memref<4096xf32, #tpu.memory_space<vmem>>
      tpu.enqueue_dma source(%dma_start3A_351 : memref<4096xf32, #tpu.memory_space<vmem>>) target(%dma_start3A_348 : memref<4096xf32, #tpu.memory_space<hbm>>) target_semaphore(%arg12 : memref<!tpu.dma_semaphore, #tpu.memory_space<semaphore_mem>>)
      %dma_wait3A_352 = arith.constant 0 : i32
      %dma_wait3A_353 = arith.constant 0 : i32
      %dma_wait3A_354 = tpu.memref_slice %arg8[%dma_wait3A_352, %dma_wait3A_353] : memref<2x4096xf32, #tpu.memory_space<vmem>> -> memref<1x4096xf32, #tpu.memory_space<vmem>>
      %dma_wait3A_355 = tpu.memref_squeeze %dma_wait3A_354 : memref<1x4096xf32, #tpu.memory_space<vmem>> -> memref<4096xf32, #tpu.memory_space<vmem>>
      %dma_wait3A_356 = arith.constant 8192 : i32
      %dma_wait3A_357 = tpu.memref_slice %arg5[%add3A_96, %dma_wait3A_356] : memref<832x16384xf32, #tpu.memory_space<hbm>> -> memref<1x4096xf32, #tpu.memory_space<hbm>>
      %dma_wait3A_358 = tpu.memref_squeeze %dma_wait3A_357 : memref<1x4096xf32, #tpu.memory_space<hbm>> -> memref<4096xf32, #tpu.memory_space<hbm>>
      %dma_wait3A_359 = arith.constant 8192 : i32
      %dma_wait3A_360 = tpu.memref_slice %arg5[%add3A_96, %dma_wait3A_359] : memref<832x16384xf32, #tpu.memory_space<hbm>> -> memref<1x4096xf32, #tpu.memory_space<hbm>>
      %dma_wait3A_361 = tpu.memref_squeeze %dma_wait3A_360 : memref<1x4096xf32, #tpu.memory_space<hbm>> -> memref<4096xf32, #tpu.memory_space<hbm>>
      %dma_wait3A_362 = arith.constant 0 : i32
      %dma_wait3A_363 = tpu.memref_slice %arg8[%dma_wait3A_352, %dma_wait3A_362] : memref<2x4096xf32, #tpu.memory_space<vmem>> -> memref<1x4096xf32, #tpu.memory_space<vmem>>
      %dma_wait3A_364 = tpu.memref_squeeze %dma_wait3A_363 : memref<1x4096xf32, #tpu.memory_space<vmem>> -> memref<4096xf32, #tpu.memory_space<vmem>>
      tpu.wait_dma2 semaphore(%arg12 : memref<!tpu.dma_semaphore, #tpu.memory_space<semaphore_mem>>) src(%dma_wait3A_364 : memref<4096xf32, #tpu.memory_space<vmem>>) dst(%dma_wait3A_361 : memref<4096xf32, #tpu.memory_space<hbm>>)
      %dma_wait3A_365 = arith.constant 1 : i32
      %dma_wait3A_366 = arith.constant 0 : i32
      %dma_wait3A_367 = tpu.memref_slice %arg8[%dma_wait3A_365, %dma_wait3A_366] : memref<2x4096xf32, #tpu.memory_space<vmem>> -> memref<1x4096xf32, #tpu.memory_space<vmem>>
      %dma_wait3A_368 = tpu.memref_squeeze %dma_wait3A_367 : memref<1x4096xf32, #tpu.memory_space<vmem>> -> memref<4096xf32, #tpu.memory_space<vmem>>
      %dma_wait3A_369 = arith.constant 12288 : i32
      %dma_wait3A_370 = tpu.memref_slice %arg5[%add3A_96, %dma_wait3A_369] : memref<832x16384xf32, #tpu.memory_space<hbm>> -> memref<1x4096xf32, #tpu.memory_space<hbm>>
      %dma_wait3A_371 = tpu.memref_squeeze %dma_wait3A_370 : memref<1x4096xf32, #tpu.memory_space<hbm>> -> memref<4096xf32, #tpu.memory_space<hbm>>
      %dma_wait3A_372 = arith.constant 12288 : i32
      %dma_wait3A_373 = tpu.memref_slice %arg5[%add3A_96, %dma_wait3A_372] : memref<832x16384xf32, #tpu.memory_space<hbm>> -> memref<1x4096xf32, #tpu.memory_space<hbm>>
      %dma_wait3A_374 = tpu.memref_squeeze %dma_wait3A_373 : memref<1x4096xf32, #tpu.memory_space<hbm>> -> memref<4096xf32, #tpu.memory_space<hbm>>
      %dma_wait3A_375 = arith.constant 0 : i32
      %dma_wait3A_376 = tpu.memref_slice %arg8[%dma_wait3A_365, %dma_wait3A_375] : memref<2x4096xf32, #tpu.memory_space<vmem>> -> memref<1x4096xf32, #tpu.memory_space<vmem>>
      %dma_wait3A_377 = tpu.memref_squeeze %dma_wait3A_376 : memref<1x4096xf32, #tpu.memory_space<vmem>> -> memref<4096xf32, #tpu.memory_space<vmem>>
      tpu.wait_dma2 semaphore(%arg12 : memref<!tpu.dma_semaphore, #tpu.memory_space<semaphore_mem>>) src(%dma_wait3A_377 : memref<4096xf32, #tpu.memory_space<vmem>>) dst(%dma_wait3A_374 : memref<4096xf32, #tpu.memory_space<hbm>>)
      scf.yield %select_n3A_120 : i32
    }
    %scan3A_93 = arith.constant 26 : i32
    return
  }
}

</mosaic_0001>

<sc_bundles>
// kernel: kernel.3.cloned.1.call-start
scs
__scs_entry_jumppad:
0x0: {  	(pc) =	sbr.rel $0x88, $3  }
0x1: {  	(tag) =	ssettag $0x0;
	lr =	simm.s32 $0x1  }
0x2: {  	[smem:$0x3F9F] =	sst lr;
	_ =	strace $0xD0000000  }
0x3: {  	_ = 	snop  }
0x4: {  	_ = 	snop  }
0x5: {  	_ = 	snop  }
0x6: {  	_ = 	snop  }
0x7: {  	_ = 	snop  }
__scs_overlays_trampoline_lowered:
0x8: {  	[smem:$0x3FAE] =	sst s0  }
0x9: {  	[smem:$0x3FAF] =	sst s1  }
0xa: {  	[smem:$0x3FB0] =	sst s2  }
0xb: {  	[smem:$0x3FB1] =	sst s3  }
0xc: {  	[smem:$0x3FB2] =	sst s4  }
0xd: {  	[smem:$0x3FB3] =	sst s5  }
0xe: {  	[smem:$0x3FB4] =	sst s6  }
0xf: {  	[smem:$0x3FB5] =	sst s7  }
0x10: {  	[smem:$0x3FB6] =	sst s8  }
0x11: {  	[smem:$0x3FB7] =	sst s9;
	s0 =	simm.s32 @!p0 $0x0  }
0x12: {  	s1 =	sld [smem:$0x3F9D];
	s0 =	simm.s32 @p0 $0x1  }
0x13: {  	[smem:$0x3FB8] =	sst s0;
	s0 =	simm.s32 @!p1 $0x0  }
0x14: {  	s2 =	sld [smem:$0x3F9C];
	s0 =	simm.s32 @p1 $0x1  }
0x15: {  	[smem:$0x3FB9] =	sst s0;
	s0 =	simm.s32 @!p2 $0x0  }
0x16: {  	s3 =	sld [smem:$0x3FDB];
	s0 =	simm.s32 @p2 $0x1  }
0x17: {  	s4 =	simm.s32 $0x1BF5;
	[smem:$0x3FBB] =	sst s0  }
0x18: {  	s0 =	sld [smem:$0x3F9E];
	_ =	swait.ge [sflag:s4], $0x0  }
0x19: {  	s7 =	sld [smem:$0x3F9F]  }
0x1a: {  	s8 =	sadd.s32 $0xFFFFE003, lr  }
0x1b: {  	s9 =	sadd.s32 $0xFFFFFEF7, lr;
	s5 =	simm.s32 $0xFFFFFFFF;
	p2 =	slt.u32 s8, $0xFFFFF086  }
0x1c: {  	p1 =	slt.u32 s9, $0xF7A;
	s5 =	simm.s32 @!p2 $0x0  }
0x1d: {  	s5 =	simm.s32 @p1 $0x1;
	p0 =	seq.s32 s7, s2  }
0x1e: {  	s7 =	smul.u32 @!p0 $0xF7A, s2;
	p2 =	seq.s32 @!p0 s5, $0x0  }
0x1f: {  	s9 =	smul.u32 $0xF7A, s1;
	s8 =	simm.s32 @!p0 $0x1BF5;
	p2 =	por !p2, p0  }
0x20: {  	[sflag:s8] =	ssyncset.s32 @!p0 $0xFFFFF086;
	s6 =	sadd.s32 @!p0 s3, s7;
	s7 =	simm.s32 @!p0 $0x108  }
0x21: {  	s3 =	sadd.s32 s3, s9;
	s6 =	sadd.s32 @!p0 $0x88, s6;
	s7 =	simm.s32 @p2 $0x1082  }
0x22: {  	[simem:s7], [sflag:s8] =	dma.local @!p0 [hbm:s6], $0xF7A  }
0x23: {  	s9 =	sor.u32 $0xD0000000, s2;
	s6 =	simm.s32 $0x108;
	_ =	swait.ge @!p0 [sflag:s8], $0x0  }
0x24: {  	s3 =	sadd.s32 $0x88, s3;
	s6 =	simm.s32 @!p1 $0x1082;
	[sflag:s4] =	ssyncset.s32 $0xFFFFF086  }
0x25: {  	[simem:s6], [sflag:s4] =	dma.local [hbm:s3], $0xF7A  }
0x26: {  	[smem:$0x3F9F] =	sst s1;
	(tag) =	ssettag s2;
	_ =	strace s9  }
0x27: {  	s1 =	sld [smem:$0x3FAF]  }
0x28: {  	s2 =	sld [smem:$0x3FB0]  }
0x29: {  	s4 =	sld [smem:$0x3FB2]  }
0x2a: {  	p0 =	seq.s32 s5, $0x0;
	s5 =	sld [smem:$0x3FB3]  }
0x2b: {  	s6 =	sld [smem:$0x3FB4]  }
0x2c: {  	s7 =	sld [smem:$0x3FB5]  }
0x2d: {  	s3 =	simm.s32 $0x108;
	s8 =	sld [smem:$0x3FB6]  }
0x2e: {  	s3 =	simm.s32 @!p0 $0x1082;
	s9 =	sld [smem:$0x3FB7]  }
0x2f: {  	lr =	sadd.s32 s0, s3;
	s0 =	sld [smem:$0x3FAE]  }
0x30: {  	s3 =	sld [smem:$0x3FB1]  }
0x31: {  	[smem:$0x3FBA] =	sst s10  }
0x32: {  	s10 =	sld [smem:$0x3FB8];
	_ =	sdelay $0x3  }
0x33: {  	p0 =	seq.s32 s10, $0x1;
	s10 =	sld [smem:$0x3FBA];
	_ =	sdelay $0x3  }
0x34: {  	[smem:$0x3FBA] =	sst s10  }
0x35: {  	s10 =	sld [smem:$0x3FB9];
	_ =	sdelay $0x3  }
0x36: {  	p1 =	seq.s32 s10, $0x1;
	s10 =	sld [smem:$0x3FBA];
	_ =	sdelay $0x3  }
0x37: {  	[smem:$0x3FBA] =	sst s10  }
0x38: {  	s10 =	sld [smem:$0x3FBB]  }
0x39: {  	_ = 	snop;
	(pc) =	sbr.ind lr, $3  }
0x3a: {  	_ = 	snop  }
0x3b: {  	_ = 	snop  }
0x3c: {  	p2 =	seq.s32 s10, $0x1;
	s10 =	sld [smem:$0x3FBA]  }
0x3d: {  	_ =	shalt  }
0x3e: {  	_ =	shalt  }
0x3f: {  	_ =	shalt  }
0x40: {  	_ =	shalt  }
0x41: {  	_ =	shalt  }
0x42: {  	_ =	shalt  }
0x43: {  	_ =	shalt  }
0x44: {  	_ =	shalt  }
0x45: {  	_ =	shalt  }
0x46: {  	_ =	shalt  }
0x47: {  	_ =	shalt  }
0x48: {  	_ =	shalt  }
0x49: {  	_ =	shalt  }
0x4a: {  	_ =	shalt  }
0x4b: {  	_ =	shalt  }
0x4c: {  	_ =	shalt  }
0x4d: {  	_ =	shalt  }
0x4e: {  	_ =	shalt  }
0x4f: {  	_ =	shalt  }
0x50: {  	_ =	shalt  }
0x51: {  	_ =	shalt  }
0x52: {  	_ =	shalt  }
0x53: {  	_ =	shalt  }
0x54: {  	_ =	shalt  }
0x55: {  	_ =	shalt  }
0x56: {  	_ =	shalt  }
0x57: {  	_ =	shalt  }
0x58: {  	_ =	shalt  }
0x59: {  	_ =	shalt  }
0x5a: {  	_ =	shalt  }
0x5b: {  	_ =	shalt  }
0x5c: {  	_ =	shalt  }
0x5d: {  	_ =	shalt  }
0x5e: {  	_ =	shalt  }
0x5f: {  	_ =	shalt  }
0x60: {  	_ =	shalt  }
0x61: {  	_ =	shalt  }
0x62: {  	_ =	shalt  }
0x63: {  	_ =	shalt  }
0x64: {  	_ =	shalt  }
0x65: {  	_ =	shalt  }
0x66: {  	_ =	shalt  }
0x67: {  	_ =	shalt  }
0x68: {  	_ =	shalt  }
0x69: {  	_ =	shalt  }
0x6a: {  	_ =	shalt  }
0x6b: {  	_ =	shalt  }
0x6c: {  	_ =	shalt  }
0x6d: {  	_ =	shalt  }
0x6e: {  	_ =	shalt  }
0x6f: {  	_ =	shalt  }
0x70: {  	_ =	shalt  }
0x71: {  	_ =	shalt  }
0x72: {  	_ =	shalt  }
0x73: {  	_ =	shalt  }
0x74: {  	_ =	shalt  }
0x75: {  	_ =	shalt  }
0x76: {  	_ =	shalt  }
0x77: {  	_ =	shalt  }
0x78: {  	_ =	shalt  }
0x79: {  	_ =	shalt  }
0x7a: {  	_ =	shalt  }
0x7b: {  	_ =	shalt  }
0x7c: {  	_ =	shalt  }
0x7d: {  	_ =	shalt  }
0x7e: {  	_ =	shalt  }
0x7f: {  	_ =	shalt  }
0x80: {  	_ =	shalt  }
0x81: {  	_ =	shalt  }
0x82: {  	_ =	shalt  }
0x83: {  	_ =	shalt  }
0x84: {  	_ =	shalt  }
0x85: {  	_ =	shalt  }
0x86: {  	_ =	shalt  }
0x87: {  	_ =	shalt  }
.Lfunc_end0:
.L_simem_size_0:
called_computation_lowered:
.L_overlay_start_0:
0x88: {  	s2 =	sld [smem:$0x3FD9]  }
0x89: {  	s3 =	sld [smem:$0x3FFE];
	_ =	sdelay $0x1  }
0x8a: {  	s1 =	srdreg.scid  }
0x8b: {  	s0 =	sand.u32 $0x1, s1  }
0x8c: {  	s17 =	sshll.u32 s0, $0xA;
	s2 =	sadd.s32 s3, s2  }
0x8d: {  	s2 =	sadd.s32 s2, s17  }
0x8e: {  	[smem:$0x3FC6] =	sst s2  }
0x8f: {  	_ = 	snop  }
0x90: {  	s2 =	sld [smem:$0x3FC9]  }
0x91: {  	s18 =	sld [smem:$0x3FC8]  }
0x92: {  	s4 =	sld [smem:$0x3FD0];
	(tm) =	ssettm $0x1  }
0x93: {  	s5 =	sld [smem:$0x3FFB];
	_ =	sdelay $0x3  }
0x94: {  	_ =	strace s5  }
0x95: {  	s5 =	sld [smem:$0x3FFC];
	_ =	sdelay $0x3  }
0x96: {  	_ =	strace s5  }
0x97: {  	s5 =	sld [smem:$0x3FFD];
	_ =	sdelay $0x3  }
0x98: {  	_ =	strace s5  }
0x99: {  	_ =	strace $0x8FFFFFFF  }
0x9a: {  	s19 =	sld [smem:$0x3FDB];
	_ =	sdelay $0x1  }
0x9b: {  	s6 =	simm.s32 $_scs_section_size  }
0x9c: {  	s7 =	simm.s32 $_size__tile_overlayer_lowered;
	s8 =	simm.s32 $_tile_overlayer_lowered  }
0x9d: {  	s22 =	simm.s32 $0x1BFF;
	s21 =	sshll.u32 s8, $0x1;
	s5 =	sadd.s32 s6, s19  }
0x9e: {  	s9 =	simm.s32 $0x0;
	s20 =	sshll.u32 s7, $0x1;
	s7 =	sadd.s32 s21, s5  }
0x9f: {  	[timem:s9], [sflag:s22] =	dma.local [hbm:s7], s20  }
0xa0: {  	_ =	swait.ge [sflag:s22], s20  }
0xa1: {  	s6 =	ssub.s32 $0x0, s20;
	[sflag:s22] =	ssyncset.done $0x0  }
0xa2: {  	[sflag:s22] =	ssyncadd.s32 s6;
	_ =	sdelay $0x1  }
0xa3: {  	s23 =	simm.s32 $0x1B8B  }
0xa4: {  	_ =	swait.ge [sflag:s23], $0x1  }
0xa5: {  	[sflag:s23] =	ssyncset.done $0x0  }
0xa6: {  	s25 =	simm.s32 $0x1B8E;
	s24 =	sld [smem:$0x3FFE];
	[sflag:s23] =	ssyncadd.s32 $0xFFFFFFFF  }
0xa7: {  	s26 =	simm.s32 $execute0_lowered;
	[smem:$0x3FD2] =	sst s25  }
0xa8: {  	s7 =	sshll.u32 s26, $0x1;
	_ =	strace $0x80000046;
	[dreg:$0x1] =	wrdreg $0xFFFFFFFF  }
0xa9: {  	s28 =	simm.s32 $_size_execute0_lowered;
	s5 =	sadd.s32 s5, s7;
	[dreg:$0x0] =	wrdreg $0x0  }
0xaa: {  	s7 =	sshll.u32 s28, $0x1;
	[dreg:$0x2] =	wrdreg s5  }
0xab: {  	[dreg:$0x3] =	wrdreg s7  }
0xac: {  	[dreg:$0x4] =	wrdreg $0xC0  }
0xad: {  	_ =	task [dreg:s9], $0x5FFFF  }
0xae: {  	[dreg:$0x1] =	wrdreg $0xFFFFFFFF  }
0xaf: {  	[dreg:$0x0] =	wrdreg $0x60  }
0xb0: {  	[dreg:$0x2] =	wrdreg s18  }
0xb1: {  	[dreg:$0x3] =	wrdreg s2  }
0xb2: {  	[dreg:$0x4] =	wrdreg s24  }
0xb3: {  	[dreg:$0x5] =	wrdreg s4  }
0xb4: {  	[dreg:$0x6] =	wrdreg $0x9  }
0xb5: {  	_ =	task.clear_ibuf [dreg:s9], $0x7FFFF;
	_ =	strace $0x90000046  }
0xb6: {  	s29 =	simm.s32 $0x9;
	_ =	strace $0x80000048  }
0xb7: {  	_ =	swait.ge [sflag:s29], $0x1  }
0xb8: {  	[sflag:s29] =	ssyncadd.s32 $0xFFFFFFFF  }
0xb9: {  	_ =	strace $0x90000048  }
0xba: {  	_ =	sfence  }
0xbb: {  	s30 =	sld [smem:$0x0];
	_ =	sdelay $0x2  }
0xbc: {  	s31 =	sshll.u32 s1, $0xD;
	s1 =	sshrl.u32 s1, $0x2  }
0xbd: {  	s3 =	sand.u32 $0x4000, s31;
	s1 =	sadd.s32 s1, s30  }
0xbe: {  	s0 =	sor.u32 s3, s0;
	s1 =	sshll.u32 s1, $0x11  }
0xbf: {  	s0 =	sor.u32 s1, s0  }
0xc0: {  	s0 =	sadd.s32 $0x8F2B, s0  }
0xc1: {  	[sflag:s0] =	ssyncadd.remote.s32 $0x1  }
0xc2: {  	_ =	sfence.sel $0xFFFF  }
0xc3: {  	[dreg:$0x0] =	wrdreg $0xFFFFFFFF;
	(pc) =	sbr.abs _section_cstart, $3  }
0xc4: {  	[dreg:$0x1] =	wrdreg $0xFFFFFFFF  }
0xc5: {  	_ =	task.clear_ibuf [dreg:s9], $0x2FFFF;
	_ =	strace $0x9FFFFFFF  }
0xc6: {  	(tm) =	ssettm $0x7FFFFFFF  }
0xc7: {  	_ =	shalt  }
tec
execute0_lowered:
.L_overlay_start_1:
0x0: {  	(tag) =	ssettag $0x1  }
0x1: {  	s1 =	rddreg [dreg:$0x0]  }
0x2: {  	s2 =	rddreg [dreg:$0x1]  }
0x3: {  	s0 =	rddreg [dreg:$0x2];
	s3 =	srdreg.scid  }
0x4: {  	s5 =	stileid.u32;
	s4 =	rddreg [dreg:$0x3];
	s15 =	simm.s32 $0x80  }
0x5: {  	s16 =	simm.s32 $0x400;
	s18 =	simm.s32 $0x2;
	s20 =	simm.s32 $0x6200  }
0x6: {  	s21 =	simm.s32 $0xC380;
	s22 =	simm.s32 $0x12500;
	s23 =	simm.s32 $0x1  }
0x7: {  	s24 =	simm.s32 $0x3;
	s3 =	sand.u32 $0x1, s3;
	s6 =	sshll.u32 s5, $0x1  }
0x8: {  	s25 =	simm.s32 $0x0;
	s5 =	simm.s32 $0x0;
	s6 =	sor.u32 s3, s6  }
0x9: {  	s7 =	sadd.s32 $0x400, s0;
	s11 =	sadd.s32 $0x1000, s4;
	s6 =	smul.u32 $0x1A, s6  }
0xa: {  	s12 =	sadd.s32 $0x2000, s4;
	s13 =	sadd.s32 $0x3000, s4;
	[smem:$0x7FF] =	sst s5  }
0xb: {  	s30 =	ssub.s32 $0x2, s3;
	s31 =	sshrl.u32 s6, $0x8;
	s8 =	sshll.u32 s6, $0x2  }
0xc: {  	_ =	strace $0x80000047;
	s9 =	sshll.u32 s31, $0x11;
	s8 =	sand.u32 $0x380, s8  }
0xd: {  	s10 =	sshrl.u32 s30, $0x1;
	s3 =	sshll.u32 s31, $0xD;
	s9 =	sor.u32 s9, s8  }
0xe: {  	s0 =	ssub.s32 s30, s10;
	s3 =	sor.u32 s3, s8;
	s9 =	sshrl.u32 s9, $0x3  }
0xf: {  	s14 =	smax.u32 s0, $0x1;
	s3 =	sshrl.u32 s3, $0x3;
	s9 =	sadd.s32 s2, s9  }
0x10: {  	s8 =	sshrl.u32 s6, $0x5;
	s10 =	sadd.s32 s7, s3;
	[dreg:$0x5] =	wrdreg s9  }
.LBB2_1:
0x11: {  	s0 =	rddreg [dreg:$0x5];
	s3 =	simm.s32 $0x18700  }
0x12: {  	[tilespmem:s3], [sflag:$0x2] =	stream.strided.gather [hbm4b:s0+s15], $0x4000, s16, s15, $0x38;
	[tilespmem:$0x1EB00] =	vst v63  }
0x13: {  	_ =	swait.ge [sflag:s18], $0x4000  }
0x14: {  	[sflag:s18] =	ssyncset.done $0x0  }
0x15: {  	s31 =	simm.s32 $0x1E700;
	[sflag:s18] =	ssyncadd.s32 $0xFFFFC000  }
0x16: {  	[tilespmem:s31], [sflag:$0x2] =	stream.strided.gather [hbm4b:s10+s15], $0x400, s16, s15, $0x38;
	[tilespmem:$0x1EB00] =	vst v63  }
0x17: {  	_ =	swait.ge [sflag:s18], $0x400  }
0x18: {  	[sflag:s18] =	ssyncset.done $0x0  }
0x19: {  	s28 =	smov.u32 s8;
	s26 =	simm.s32 $0x0;
	[sflag:s18] =	ssyncadd.s32 $0xFFFFFC00  }
.LBB2_2:
0x1a: {  	s29 =	sadd.s32 s6, s26  }
0x1b: {  	s0 =	smov.u32 s28;
	s28 =	sshrl.u32 s29, $0x5;
	s3 =	sand.u32 $0x1F, s29  }
0x1c: {  	s17 =	smul.u32 $0x30E000, s28;
	s30 =	sshrl.u32 s3, $0x3  }
0x1d: {  	s30 =	smul.u32 $0xC3800, s30  }
0x1e: {  	s31 =	sshll.u32 s29, $0x7  }
0x1f: {  	s17 =	sadd.s32 s17, s30;
	s30 =	sand.u32 $0x380, s31  }
0x20: {  	s17 =	sor.u32 s30, s17  }
0x21: {  	s17 =	sshrl.u32 s17, $0x3  }
0x22: {  	s17 =	sadd.s32 s1, s17  }
0x23: {  	[tilespmem:s5], [sflag:$0x1] =	stream.strided.gather [hbm4b:s17+s15], $0x6200, s16, s15, $0x38;
	[tilespmem:$0x1EB00] =	vst v63  }
0x24: {  	s30 =	sadd.s32 $0x6200, s17  }
0x25: {  	[tilespmem:s20], [sflag:$0x1] =	stream.strided.gather [hbm4b:s30+s15], $0x6180, s16, s15, $0x38;
	[tilespmem:$0x1EB00] =	vst v63  }
0x26: {  	s30 =	sadd.s32 $0xC380, s17  }
0x27: {  	[tilespmem:s21], [sflag:$0x1] =	stream.strided.gather [hbm4b:s30+s15], $0x6180, s16, s15, $0x38;
	[tilespmem:$0x1EB00] =	vst v63  }
0x28: {  	p0 =	seq.s32 s28, s0;
	s17 =	sadd.s32 $0x12500, s17  }
0x29: {  	[tilespmem:s22], [sflag:$0x1] =	stream.strided.gather [hbm4b:s17+s15], $0x6180, s16, s15, $0x38;
	[tilespmem:$0x1EB00] =	vst v63  }
0x2a: {  	s0 =	sshrl.u32 @!p0 s29, $0x8;
	s17 =	sshll.u32 @!p0 s28, $0x7  }
0x2b: {  	s30 =	sshll.u32 @!p0 s0, $0x11;
	s17 =	sand.u32 @!p0 $0x380, s17  }
0x2c: {  	s30 =	sor.u32 @!p0 s30, s17  }
0x2d: {  	s19 =	simm.s32 @!p0 $0x400;
	s30 =	sshrl.u32 @!p0 s30, $0x3  }
0x2e: {  	s9 =	simm.s32 @!p0 $0x18700;
	s31 =	simm.s32 @!p0 $0x80;
	s30 =	sadd.s32 @!p0 s2, s30  }
0x2f: {  	[tilespmem:s9], [sflag:$0x2] =	stream.strided.gather @!p0 [hbm4b:s30+s31], $0x4000, s19, s31, $0x38;
	[tilespmem:$0x1EB00] =	vst v63  }
0x30: {  	s0 =	sshll.u32 @!p0 s0, $0xD;
	s9 =	simm.s32 @!p0 $0x2  }
0x31: {  	s0 =	sor.u32 @!p0 s0, s17;
	_ =	swait.ge @!p0 [sflag:s9], $0x4000  }
0x32: {  	s0 =	sshrl.u32 @!p0 s0, $0x3;
	[sflag:s9] =	ssyncset.done @!p0 $0x0  }
0x33: {  	s17 =	simm.s32 @!p0 $0x1E700;
	s0 =	sadd.s32 @!p0 s7, s0;
	[sflag:s9] =	ssyncadd.s32 @!p0 $0xFFFFC000  }
0x34: {  	[tilespmem:s17], [sflag:$0x2] =	stream.strided.gather @!p0 [hbm4b:s0+s31], $0x400, s19, s31, $0x38;
	[tilespmem:$0x1EB00] =	vst v63  }
0x35: {  	_ =	swait.ge @!p0 [sflag:s9], $0x400  }
0x36: {  	[sflag:s9] =	ssyncset.done @!p0 $0x0  }
0x37: {  	[sflag:s9] =	ssyncadd.s32 @!p0 $0xFFFFFC00  }
0x38: {  	_ =	swait.ge [sflag:s23], $0x6200  }
0x39: {  	[sflag:s23] =	ssyncset.done $0x0  }
0x3a: {  	[sflag:s23] =	ssyncadd.s32 $0xFFFF9E00  }
0x3b: {  	_ =	swait.ge [sflag:s23], $0x6180  }
0x3c: {  	[sflag:s23] =	ssyncset.done $0x0  }
0x3d: {  	[sflag:s23] =	ssyncadd.s32 $0xFFFF9E80  }
0x3e: {  	_ =	swait.ge [sflag:s23], $0x6180  }
0x3f: {  	[sflag:s23] =	ssyncset.done $0x0  }
0x40: {  	[sflag:s23] =	ssyncadd.s32 $0xFFFF9E80  }
0x41: {  	_ =	swait.ge [sflag:s23], $0x6180  }
0x42: {  	[sflag:s23] =	ssyncset.done $0x0  }
0x43: {  	s17 =	sshll.u32 s3, $0x5;
	[sflag:s23] =	ssyncadd.s32 $0xFFFF9E80  }
0x44: {  	v0 =	vld [tilespmem:s17+$0x1E700];
	_ =	sdelay $0x4  }
0x45: {  	s0 =	sadd.s32 $0x1E700, s17;
	[tilespmem:$0x18680] =	vst v0  }
0x46: {  	v0 =	vld [tilespmem:s0+$0x10];
	_ =	sdelay $0x4  }
0x47: {  	s19 =	simm.s32 $0x18740;
	[tilespmem:$0x18690] =	vst v0  }
0x48: {  	v0 =	vld [tilespmem:s19+$0x30]  }
0x49: {  	v1 =	vld [tilespmem:s19+$0xFFFFFFD0]  }
0x4a: {  	v2 =	vld [tilespmem:s19+$0xFFFFFFE0]  }
0x4b: {  	v3 =	vld [tilespmem:s19+$0xFFFFFFF0]  }
0x4c: {  	v6 =	vld [tilespmem:s19+$0x0]  }
0x4d: {  	v7 =	vld [tilespmem:s19+$0x10]  }
0x4e: {  	v8 =	vld [tilespmem:s19+$0x20]  }
0x4f: {  	v9 =	vld [tilespmem:s19+$0xFFFFFFC0]  }
0x50: {  	v10 =	vld.idx.msk [tilespmem:v0+s5+$0x0], $0xffff  }
0x51: {  	v11 =	vld.idx.msk [tilespmem:v1+s5+$0x0], $0xffff  }
0x52: {  	v5 =	vld.idx.msk [tilespmem:v2+s5+$0x0], $0xffff  }
0x53: {  	v4 =	vld.idx.msk [tilespmem:v3+s5+$0x0], $0xffff  }
0x54: {  	v3 =	vld.idx.msk [tilespmem:v6+s5+$0x0], $0xffff  }
0x55: {  	s30 =	simm.s32 $0x1C740;
	v2 =	vld.idx.msk [tilespmem:v7+s5+$0x0], $0xffff  }
0x56: {  	v0 =	vld.idx.msk [tilespmem:v8+s5+$0x0], $0xffff;
	[tilespmem:s30+$0x30] =	vst v10  }
0x57: {  	s31 =	simm.s32 $0x0;
	s3 =	simm.s32 $0x187C0;
	v1 =	vld.idx.msk [tilespmem:v9+s5+$0x0], $0xffff;
	[tilespmem:s30+$0xFFFFFFD0] =	vst v11  }
.LBB2_3:
0x58: {  	v6 =	vld [tilespmem:s3+$0x30];
	s31 =	sadd.s32 $0x8, s31;
	[tilespmem:s30+$0xFFFFFFE0] =	vst v5  }
0x59: {  	v5 =	vld [tilespmem:s3+$0xFFFFFFD0];
	p0 =	slt.u32 s31, $0xF8;
	[tilespmem:s30+$0xFFFFFFF0] =	vst v4  }
0x5a: {  	v4 =	vld [tilespmem:s3+$0xFFFFFFE0];
	[tilespmem:s30+$0x0] =	vst v3  }
0x5b: {  	v3 =	vld [tilespmem:s3+$0xFFFFFFF0];
	[tilespmem:s30+$0x10] =	vst v2  }
0x5c: {  	v2 =	vld [tilespmem:s3+$0x0];
	[tilespmem:s30+$0x20] =	vst v0  }
0x5d: {  	v0 =	vld [tilespmem:s3+$0x10];
	[tilespmem:s30+$0xFFFFFFC0] =	vst v1  }
0x5e: {  	v1 =	vld [tilespmem:s3+$0x20]  }
0x5f: {  	v7 =	vld [tilespmem:s3+$0xFFFFFFC0]  }
0x60: {  	v6 =	vld.idx.msk [tilespmem:v6+s5+$0x0], $0xffff  }
0x61: {  	v8 =	vld.idx.msk [tilespmem:v5+s5+$0x0], $0xffff  }
0x62: {  	v5 =	vld.idx.msk [tilespmem:v4+s5+$0x0], $0xffff  }
.Ltmp0:
0x63: {  	v4 =	vld.idx.msk [tilespmem:v3+s5+$0x0], $0xffff;
	(pc) =	sbr.rel @p0 .LBB2_3-.Ltmp0, $4  }
0x64: {  	v3 =	vld.idx.msk [tilespmem:v2+s5+$0x0], $0xffff  }
0x65: {  	s30 =	sadd.s32 $0x100, s30;
	v2 =	vld.idx.msk [tilespmem:v0+s5+$0x0], $0xffff  }
0x66: {  	v0 =	vld.idx.msk [tilespmem:v1+s5+$0x0], $0xffff;
	[tilespmem:s30+$0x30] =	vst v6  }
0x67: {  	s3 =	sadd.s32 $0x80, s3;
	v1 =	vld.idx.msk [tilespmem:v7+s5+$0x0], $0xffff;
	[tilespmem:s30+$0xFFFFFFD0] =	vst v8  }
0x68: {  	[tilespmem:s30+$0xFFFFFFE0] =	vst v5  }
0x69: {  	[tilespmem:s30+$0xFFFFFFF0] =	vst v4  }
0x6a: {  	s0 =	sshll.u32 s29, $0xB;
	s3 =	sshll.u32 s29, $0x4;
	[tilespmem:s30+$0x0] =	vst v3  }
0x6b: {  	s0 =	sand.u32 $0xFFFC000, s0;
	s3 =	sand.u32 $0x70, s3;
	[tilespmem:s30+$0x10] =	vst v2  }
0x6c: {  	s29 =	sor.u32 s3, s0;
	[tilespmem:s30+$0x20] =	vst v0  }
0x6d: {  	s17 =	simm.s32 $0x1C700;
	s3 =	simm.s32 $0x0;
	s0 =	sadd.s32 s4, s29;
	[tilespmem:s30+$0xFFFFFFC0] =	vst v1  }
.LBB2_5:
0x6e: {  	p0 =	sne.s32 s3, $0xF80  }
.Ltmp1:
0x6f: {  	_ = 	snop;
	(pc) =	sbr.rel @p0 .LBB2_5-.Ltmp1, $4  }
0x70: {  	_ = 	snop  }
0x71: {  	s9 =	sadd.s32 s3, s0  }
0x72: {  	[hbm4b:s9+s5] =	stream.linear.scatter [tilespmem:s17], [sflag:$0x3], $0x80, $0x38;
	[tilespmem:$0x1EB00] =	vst v63  }
0x73: {  	s3 =	sadd.s32 $0x80, s3;
	s17 =	sadd.s32 $0x100, s17  }
0x74: {  	s0 =	simm.s32 $0x19770  }
0x75: {  	v0 =	vld [tilespmem:s0+$0x0]  }
0x76: {  	v1 =	vld [tilespmem:s0+$0xFFFFFFA0]  }
0x77: {  	v2 =	vld [tilespmem:s0+$0xFFFFFFB0]  }
0x78: {  	v3 =	vld [tilespmem:s0+$0xFFFFFFC0]  }
0x79: {  	v6 =	vld [tilespmem:s0+$0xFFFFFFD0]  }
0x7a: {  	v7 =	vld [tilespmem:s0+$0xFFFFFFE0]  }
0x7b: {  	v8 =	vld [tilespmem:s0+$0xFFFFFFF0]  }
0x7c: {  	v9 =	vld [tilespmem:s0+$0xFFFFFF90]  }
0x7d: {  	v10 =	vld.idx.msk [tilespmem:v0+s5+$0x0], $0xffff  }
0x7e: {  	v11 =	vld.idx.msk [tilespmem:v1+s5+$0x0], $0xffff  }
0x7f: {  	v5 =	vld.idx.msk [tilespmem:v2+s5+$0x0], $0xffff  }
0x80: {  	v4 =	vld.idx.msk [tilespmem:v3+s5+$0x0], $0xffff  }
0x81: {  	v0 =	vld.idx.msk [tilespmem:v6+s5+$0x0], $0xffff  }
0x82: {  	s30 =	simm.s32 $0x1C7F0;
	v1 =	vld.idx.msk [tilespmem:v7+s5+$0x0], $0xffff  }
0x83: {  	v2 =	vld.idx.msk [tilespmem:v8+s5+$0x0], $0xffff;
	[tilespmem:s30+$0x0] =	vst v10  }
0x84: {  	s31 =	simm.s32 $0x0;
	s3 =	simm.s32 $0x197F0;
	v3 =	vld.idx.msk [tilespmem:v9+s5+$0x0], $0xffff;
	[tilespmem:s30+$0xFFFFFFA0] =	vst v11  }
.LBB2_7:
0x85: {  	v6 =	vld [tilespmem:s3+$0x0];
	s31 =	sadd.s32 $0x8, s31;
	[tilespmem:s30+$0xFFFFFFB0] =	vst v5  }
0x86: {  	v5 =	vld [tilespmem:s3+$0xFFFFFFA0];
	p0 =	slt.u32 s31, $0xF8;
	[tilespmem:s30+$0xFFFFFFC0] =	vst v4  }
0x87: {  	v4 =	vld [tilespmem:s3+$0xFFFFFFB0];
	[tilespmem:s30+$0xFFFFFFD0] =	vst v0  }
0x88: {  	v0 =	vld [tilespmem:s3+$0xFFFFFFC0];
	[tilespmem:s30+$0xFFFFFFE0] =	vst v1  }
0x89: {  	v1 =	vld [tilespmem:s3+$0xFFFFFFD0];
	[tilespmem:s30+$0xFFFFFFF0] =	vst v2  }
0x8a: {  	v2 =	vld [tilespmem:s3+$0xFFFFFFE0];
	[tilespmem:s30+$0xFFFFFF90] =	vst v3  }
0x8b: {  	v3 =	vld [tilespmem:s3+$0xFFFFFFF0]  }
0x8c: {  	v7 =	vld [tilespmem:s3+$0xFFFFFF90]  }
0x8d: {  	v6 =	vld.idx.msk [tilespmem:v6+s5+$0x0], $0xffff  }
0x8e: {  	v8 =	vld.idx.msk [tilespmem:v5+s5+$0x0], $0xffff  }
0x8f: {  	v5 =	vld.idx.msk [tilespmem:v4+s5+$0x0], $0xffff  }
.Ltmp2:
0x90: {  	v4 =	vld.idx.msk [tilespmem:v0+s5+$0x0], $0xffff;
	(pc) =	sbr.rel @p0 .LBB2_7-.Ltmp2, $4  }
0x91: {  	v0 =	vld.idx.msk [tilespmem:v1+s5+$0x0], $0xffff  }
0x92: {  	s30 =	sadd.s32 $0x100, s30;
	v1 =	vld.idx.msk [tilespmem:v2+s5+$0x0], $0xffff  }
0x93: {  	v2 =	vld.idx.msk [tilespmem:v3+s5+$0x0], $0xffff;
	[tilespmem:s30+$0x0] =	vst v6  }
0x94: {  	s3 =	sadd.s32 $0x80, s3;
	v3 =	vld.idx.msk [tilespmem:v7+s5+$0x0], $0xffff;
	[tilespmem:s30+$0xFFFFFFA0] =	vst v8  }
0x95: {  	[tilespmem:s30+$0xFFFFFFB0] =	vst v5  }
0x96: {  	[tilespmem:s30+$0xFFFFFFC0] =	vst v4  }
0x97: {  	[tilespmem:s30+$0xFFFFFFD0] =	vst v0  }
0x98: {  	[tilespmem:s30+$0xFFFFFFE0] =	vst v1  }
0x99: {  	s3 =	sadd.s32 s29, s11;
	s31 =	simm.s32 $0x1C780;
	[tilespmem:s30+$0xFFFFFFF0] =	vst v2  }
0x9a: {  	s0 =	simm.s32 $0x1C880;
	s17 =	sadd.s32 $0x0, s3;
	[tilespmem:s30+$0xFFFFFF90] =	vst v3;
	s30 =	simm.s32 $0x80  }
.LBB2_9:
0x9b: {  	[hbm4b:s17+s5] =	stream.linear.scatter [tilespmem:s31], [sflag:$0x3], $0x80, $0x38;
	[tilespmem:$0x1EB00] =	vst v63  }
0x9c: {  	s9 =	smov.u32 s30;
	s31 =	smov.u32 s0;
	p0 =	sne.s32 s30, $0xF80  }
.Ltmp3:
0x9d: {  	s30 =	sadd.s32 $0x80, s30;
	(pc) =	sbr.rel @p0 .LBB2_9-.Ltmp3, $2  }
0x9e: {  	_ =	sdelay $0x2  }
0x9f: {  	s0 =	sadd.s32 $0x100, s0;
	s17 =	sadd.s32 s9, s3  }
0xa0: {  	[hbm4b:s17+s5] =	stream.linear.scatter [tilespmem:s31], [sflag:$0x3], $0x80, $0x38;
	[tilespmem:$0x1EB00] =	vst v63  }
0xa1: {  	_ =	swait.ge [sflag:s24], $0x1000  }
0xa2: {  	[sflag:s24] =	ssyncset.done $0x0  }
0xa3: {  	s0 =	simm.s32 $0x1A770;
	[sflag:s24] =	ssyncadd.s32 $0xFFFFF000  }
0xa4: {  	v0 =	vld [tilespmem:s0+$0x0]  }
0xa5: {  	v1 =	vld [tilespmem:s0+$0xFFFFFFA0]  }
0xa6: {  	v2 =	vld [tilespmem:s0+$0xFFFFFFB0]  }
0xa7: {  	v3 =	vld [tilespmem:s0+$0xFFFFFFC0]  }
0xa8: {  	v6 =	vld [tilespmem:s0+$0xFFFFFFD0]  }
0xa9: {  	v7 =	vld [tilespmem:s0+$0xFFFFFFE0]  }
0xaa: {  	v8 =	vld [tilespmem:s0+$0xFFFFFFF0]  }
0xab: {  	v9 =	vld [tilespmem:s0+$0xFFFFFF90]  }
0xac: {  	v10 =	vld.idx.msk [tilespmem:v0+s5+$0x0], $0xffff  }
0xad: {  	v11 =	vld.idx.msk [tilespmem:v1+s5+$0x0], $0xffff  }
0xae: {  	v5 =	vld.idx.msk [tilespmem:v2+s5+$0x0], $0xffff  }
0xaf: {  	v4 =	vld.idx.msk [tilespmem:v3+s5+$0x0], $0xffff  }
0xb0: {  	v0 =	vld.idx.msk [tilespmem:v6+s5+$0x0], $0xffff  }
0xb1: {  	s30 =	simm.s32 $0x1C740;
	v1 =	vld.idx.msk [tilespmem:v7+s5+$0x0], $0xffff  }
0xb2: {  	v2 =	vld.idx.msk [tilespmem:v8+s5+$0x0], $0xffff;
	[tilespmem:s30+$0x30] =	vst v10  }
0xb3: {  	s31 =	simm.s32 $0x0;
	s3 =	simm.s32 $0x1A7F0;
	v3 =	vld.idx.msk [tilespmem:v9+s5+$0x0], $0xffff;
	[tilespmem:s30+$0xFFFFFFD0] =	vst v11  }
.LBB2_11:
0xb4: {  	v6 =	vld [tilespmem:s3+$0x0];
	s31 =	sadd.s32 $0x8, s31;
	[tilespmem:s30+$0xFFFFFFE0] =	vst v5  }
0xb5: {  	v5 =	vld [tilespmem:s3+$0xFFFFFFA0];
	p0 =	slt.u32 s31, $0xF8;
	[tilespmem:s30+$0xFFFFFFF0] =	vst v4  }
0xb6: {  	v4 =	vld [tilespmem:s3+$0xFFFFFFB0];
	[tilespmem:s30+$0x0] =	vst v0  }
0xb7: {  	v0 =	vld [tilespmem:s3+$0xFFFFFFC0];
	[tilespmem:s30+$0x10] =	vst v1  }
0xb8: {  	v1 =	vld [tilespmem:s3+$0xFFFFFFD0];
	[tilespmem:s30+$0x20] =	vst v2  }
0xb9: {  	v2 =	vld [tilespmem:s3+$0xFFFFFFE0];
	[tilespmem:s30+$0xFFFFFFC0] =	vst v3  }
0xba: {  	v3 =	vld [tilespmem:s3+$0xFFFFFFF0]  }
0xbb: {  	v7 =	vld [tilespmem:s3+$0xFFFFFF90]  }
0xbc: {  	v6 =	vld.idx.msk [tilespmem:v6+s5+$0x0], $0xffff  }
0xbd: {  	v8 =	vld.idx.msk [tilespmem:v5+s5+$0x0], $0xffff  }
0xbe: {  	v5 =	vld.idx.msk [tilespmem:v4+s5+$0x0], $0xffff  }
.Ltmp4:
0xbf: {  	v4 =	vld.idx.msk [tilespmem:v0+s5+$0x0], $0xffff;
	(pc) =	sbr.rel @p0 .LBB2_11-.Ltmp4, $4  }
0xc0: {  	v0 =	vld.idx.msk [tilespmem:v1+s5+$0x0], $0xffff  }
0xc1: {  	s30 =	sadd.s32 $0x100, s30;
	v1 =	vld.idx.msk [tilespmem:v2+s5+$0x0], $0xffff  }
0xc2: {  	v2 =	vld.idx.msk [tilespmem:v3+s5+$0x0], $0xffff;
	[tilespmem:s30+$0x30] =	vst v6  }
0xc3: {  	s3 =	sadd.s32 $0x80, s3;
	v3 =	vld.idx.msk [tilespmem:v7+s5+$0x0], $0xffff;
	[tilespmem:s30+$0xFFFFFFD0] =	vst v8  }
0xc4: {  	[tilespmem:s30+$0xFFFFFFE0] =	vst v5  }
0xc5: {  	[tilespmem:s30+$0xFFFFFFF0] =	vst v4  }
0xc6: {  	[tilespmem:s30+$0x0] =	vst v0  }
0xc7: {  	[tilespmem:s30+$0x10] =	vst v1  }
0xc8: {  	s3 =	sadd.s32 s29, s12;
	s31 =	simm.s32 $0x1C700;
	[tilespmem:s30+$0x20] =	vst v2  }
0xc9: {  	s0 =	simm.s32 $0x1C800;
	s17 =	sadd.s32 $0x0, s3;
	[tilespmem:s30+$0xFFFFFFC0] =	vst v3;
	s30 =	simm.s32 $0x80  }
.LBB2_13:
0xca: {  	[hbm4b:s17+s5] =	stream.linear.scatter [tilespmem:s31], [sflag:$0x3], $0x80, $0x38;
	[tilespmem:$0x1EB00] =	vst v63  }
0xcb: {  	s9 =	smov.u32 s30;
	s31 =	smov.u32 s0;
	p0 =	sne.s32 s30, $0xF80  }
.Ltmp5:
0xcc: {  	s30 =	sadd.s32 $0x80, s30;
	(pc) =	sbr.rel @p0 .LBB2_13-.Ltmp5, $2  }
0xcd: {  	_ =	sdelay $0x2  }
0xce: {  	s0 =	sadd.s32 $0x100, s0;
	s17 =	sadd.s32 s9, s3  }
0xcf: {  	[hbm4b:s17+s5] =	stream.linear.scatter [tilespmem:s31], [sflag:$0x3], $0x80, $0x38;
	[tilespmem:$0x1EB00] =	vst v63  }
0xd0: {  	_ =	swait.ge [sflag:s24], $0x1000  }
0xd1: {  	[sflag:s24] =	ssyncset.done $0x0  }
0xd2: {  	s0 =	simm.s32 $0x1B770;
	[sflag:s24] =	ssyncadd.s32 $0xFFFFF000  }
0xd3: {  	v0 =	vld [tilespmem:s0+$0x0]  }
0xd4: {  	v1 =	vld [tilespmem:s0+$0xFFFFFFA0]  }
0xd5: {  	v2 =	vld [tilespmem:s0+$0xFFFFFFB0]  }
0xd6: {  	v3 =	vld [tilespmem:s0+$0xFFFFFFC0]  }
0xd7: {  	v6 =	vld [tilespmem:s0+$0xFFFFFFD0]  }
0xd8: {  	v7 =	vld [tilespmem:s0+$0xFFFFFFE0]  }
0xd9: {  	v8 =	vld [tilespmem:s0+$0xFFFFFFF0]  }
0xda: {  	v9 =	vld [tilespmem:s0+$0xFFFFFF90]  }
0xdb: {  	v10 =	vld.idx.msk [tilespmem:v0+s5+$0x0], $0xffff  }
0xdc: {  	v11 =	vld.idx.msk [tilespmem:v1+s5+$0x0], $0xffff  }
0xdd: {  	v5 =	vld.idx.msk [tilespmem:v2+s5+$0x0], $0xffff  }
0xde: {  	v4 =	vld.idx.msk [tilespmem:v3+s5+$0x0], $0xffff  }
0xdf: {  	v0 =	vld.idx.msk [tilespmem:v6+s5+$0x0], $0xffff  }
0xe0: {  	s30 =	simm.s32 $0x1C7F0;
	v1 =	vld.idx.msk [tilespmem:v7+s5+$0x0], $0xffff  }
0xe1: {  	v2 =	vld.idx.msk [tilespmem:v8+s5+$0x0], $0xffff;
	[tilespmem:s30+$0x0] =	vst v10  }
0xe2: {  	s31 =	simm.s32 $0x0;
	s3 =	simm.s32 $0x1B7F0;
	v3 =	vld.idx.msk [tilespmem:v9+s5+$0x0], $0xffff;
	[tilespmem:s30+$0xFFFFFFA0] =	vst v11  }
.LBB2_15:
0xe3: {  	v6 =	vld [tilespmem:s3+$0x0];
	s31 =	sadd.s32 $0x8, s31;
	[tilespmem:s30+$0xFFFFFFB0] =	vst v5  }
0xe4: {  	v5 =	vld [tilespmem:s3+$0xFFFFFFA0];
	p0 =	slt.u32 s31, $0xF8;
	[tilespmem:s30+$0xFFFFFFC0] =	vst v4  }
0xe5: {  	v4 =	vld [tilespmem:s3+$0xFFFFFFB0];
	[tilespmem:s30+$0xFFFFFFD0] =	vst v0  }
0xe6: {  	v0 =	vld [tilespmem:s3+$0xFFFFFFC0];
	[tilespmem:s30+$0xFFFFFFE0] =	vst v1  }
0xe7: {  	v1 =	vld [tilespmem:s3+$0xFFFFFFD0];
	[tilespmem:s30+$0xFFFFFFF0] =	vst v2  }
0xe8: {  	v2 =	vld [tilespmem:s3+$0xFFFFFFE0];
	[tilespmem:s30+$0xFFFFFF90] =	vst v3  }
0xe9: {  	v3 =	vld [tilespmem:s3+$0xFFFFFFF0]  }
0xea: {  	v7 =	vld [tilespmem:s3+$0xFFFFFF90]  }
0xeb: {  	v6 =	vld.idx.msk [tilespmem:v6+s5+$0x0], $0xffff  }
0xec: {  	v8 =	vld.idx.msk [tilespmem:v5+s5+$0x0], $0xffff  }
0xed: {  	v5 =	vld.idx.msk [tilespmem:v4+s5+$0x0], $0xffff  }
.Ltmp6:
0xee: {  	v4 =	vld.idx.msk [tilespmem:v0+s5+$0x0], $0xffff;
	(pc) =	sbr.rel @p0 .LBB2_15-.Ltmp6, $4  }
0xef: {  	v0 =	vld.idx.msk [tilespmem:v1+s5+$0x0], $0xffff  }
0xf0: {  	s30 =	sadd.s32 $0x100, s30;
	v1 =	vld.idx.msk [tilespmem:v2+s5+$0x0], $0xffff  }
0xf1: {  	v2 =	vld.idx.msk [tilespmem:v3+s5+$0x0], $0xffff;
	[tilespmem:s30+$0x0] =	vst v6  }
0xf2: {  	s3 =	sadd.s32 $0x80, s3;
	v3 =	vld.idx.msk [tilespmem:v7+s5+$0x0], $0xffff;
	[tilespmem:s30+$0xFFFFFFA0] =	vst v8  }
0xf3: {  	[tilespmem:s30+$0xFFFFFFB0] =	vst v5  }
0xf4: {  	[tilespmem:s30+$0xFFFFFFC0] =	vst v4  }
0xf5: {  	[tilespmem:s30+$0xFFFFFFD0] =	vst v0  }
0xf6: {  	[tilespmem:s30+$0xFFFFFFE0] =	vst v1  }
0xf7: {  	s3 =	sadd.s32 s29, s13;
	s29 =	simm.s32 $0x1C780;
	[tilespmem:s30+$0xFFFFFFF0] =	vst v2  }
0xf8: {  	s0 =	simm.s32 $0x1C880;
	s17 =	sadd.s32 $0x0, s3;
	[tilespmem:s30+$0xFFFFFF90] =	vst v3;
	s30 =	simm.s32 $0x80  }
.LBB2_17:
0xf9: {  	[hbm4b:s17+s5] =	stream.linear.scatter [tilespmem:s29], [sflag:$0x3], $0x80, $0x38;
	[tilespmem:$0x1EB00] =	vst v63  }
0xfa: {  	s9 =	smov.u32 s30;
	s29 =	smov.u32 s0;
	p0 =	sne.s32 s30, $0xF80  }
.Ltmp7:
0xfb: {  	s30 =	sadd.s32 $0x80, s30;
	(pc) =	sbr.rel @p0 .LBB2_17-.Ltmp7, $2  }
0xfc: {  	_ =	sdelay $0x2  }
0xfd: {  	s0 =	sadd.s32 $0x100, s0;
	s17 =	sadd.s32 s9, s3  }
0xfe: {  	[hbm4b:s17+s5] =	stream.linear.scatter [tilespmem:s29], [sflag:$0x3], $0x80, $0x38;
	[tilespmem:$0x1EB00] =	vst v63  }
0xff: {  	s26 =	sadd.s32 $0x1, s26  }
0x100: {  	_ =	swait.ge [sflag:s24], $0x1000;
	p0 =	sne.s32 s26, $0x1A  }
.Ltmp8:
0x101: {  	[sflag:s24] =	ssyncset.done $0x0;
	(pc) =	sbr.rel @p0 .LBB2_2-.Ltmp8, $4  }
0x102: {  	[sflag:s24] =	ssyncadd.s32 $0xFFFFF000  }
0x103: {  	_ =	swait.ge [sflag:s24], $0x1000  }
0x104: {  	[sflag:s24] =	ssyncset.done $0x0  }
0x105: {  	[sflag:s24] =	ssyncadd.s32 $0xFFFFF000  }
0x106: {  	s25 =	sadd.s32 $0x1, s25  }
0x107: {  	p0 =	sne.s32 s25, s14  }
.Ltmp9:
0x108: {  	_ = 	snop;
	(pc) =	sbr.rel @p0 .LBB2_1-.Ltmp9, $1  }
0x109: {  	_ =	sdelay $0x3  }
0x10a: {  	_ =	sfence.sel $0x180000  }
0x10b: {  	[bflag:$0x0] =	sbarrier.arrive $0xFFFF  }
0x10c: {  	_ =	strace $0x90000047  }
0x10d: {  	s0 =	stileid.u32;
	[bflag:$0x2] =	sbarrier.arrive $0xFFFF  }
0x10e: {  	p0 =	sne.s32 s0, $0x0;
	s0 =	rddreg [dreg:$0x4]  }
0x10f: {  	s0 =	sadd.s32 @!p0 $0x100000, s0  }
0x110: {  	[sflag:s0] =	ssyncadd.tile.s32 @!p0 $0x1;
	_ =	shalt  }
.Lfunc_end2:
_tile_overlayer_lowered:
.L_overlay_start_2:
0x111: {  	(tag) =	ssettag $0x2  }
0x112: {  	s0 =	rddreg [dreg:$0x0];
	s2 =	stileid.u32  }
0x113: {  	s1 =	rddreg [dreg:$0x1];
	p0 =	sne.s32 s2, $0x0  }
0x114: {  	s3 =	rddreg [dreg:$0x2];
	[bflag:$0x3] =	sbarrier.arrive $0xFFFF;
	s2 =	simm.s32 @!p0 $0x1C04  }
0x115: {  	[timem:s3], [sflag:s2] =	dma.local @!p0 [hbm:s0], s1  }
0x116: {  	s0 =	simm.s32 @!p0 $0x4  }
0x117: {  	_ =	swait.ge @!p0 [sflag:s0], s1  }
0x118: {  	s1 =	ssub.s32 @!p0 $0x0, s1;
	[sflag:s0] =	ssyncset.done @!p0 $0x0  }
0x119: {  	[sflag:s0] =	ssyncadd.s32 @!p0 s1  }
0x11a: {  	[bflag:$0x3] =	sbarrier.arrive $0xFFFF  }
0x11b: {  	_ =	shalt  }

</sc_bundles>
